<compile_context>
chip_gen: v7x
topology: tpu7x:2x2x1
jax: 0.10.2.dev20260603
libtpu: 0.0.44.dev20260713+nightly
codegen_flags: <defaults>
</compile_context>

<pallas_src>
import functools

import jax
import jax.numpy as jnp
from jax import lax
from jax.experimental import pallas as pl
from jax.experimental.pallas import tpu as pltpu
from jax.experimental.pallas import tpu_sc as plsc

_VOCAB = 1000
_B, _T = 1024, 50
_BT = _B * _T

_info = plsc.get_sparse_core_info()
_NC, _NS = _info.num_cores, _info.num_subcores
_NW = _NC * _NS
_BPW = _BT // _NW
_CH = 64
_NCHUNK = _BPW // _CH
_STAGE = _CH * _VOCAB

_mesh = plsc.VectorSubcoreMesh(core_axis_name="c", subcore_axis_name="s")


@functools.partial(
    pl.kernel,
    mesh=_mesh,
    out_type=jax.ShapeDtypeStruct((_BT * _VOCAB,), jnp.float32),
    scratch_types=[
        pltpu.VMEM((_BPW,), jnp.int32),
        pltpu.VMEM((_STAGE,), jnp.float32),
        pltpu.SemaphoreType.DMA,
    ],
)
def _gather_rows(idx_hbm, table_hbm, out_hbm, idx_v, stage_v, sem):
    wid = lax.axis_index("s") * _NC + lax.axis_index("c")
    base = wid * _BPW
    pltpu.sync_copy(idx_hbm.at[pl.ds(base, _BPW)], idx_v)

    def chunk(c, carry):
        def fire(g, carry2):
            vec = idx_v[pl.ds(c * _CH + g * 16, 16)]
            for l in range(16):
                src = pl.multiple_of(vec[l] * _VOCAB, 8)
                dst = pl.multiple_of((g * 16 + l) * _VOCAB, 8)
                pltpu.async_copy(
                    table_hbm.at[pl.ds(src, _VOCAB)],
                    stage_v.at[pl.ds(dst, _VOCAB)],
                    sem,
                )
            return carry2

        lax.fori_loop(0, _CH // 16, fire, 0)
        pltpu.make_async_copy(
            table_hbm.at[pl.ds(0, _STAGE)],
            stage_v.at[pl.ds(0, _STAGE)],
            sem,
        ).wait()
        out_off = pl.multiple_of((base + c * _CH) * _VOCAB, 8)
        pltpu.sync_copy(stage_v, out_hbm.at[pl.ds(out_off, _STAGE)])
        return carry

    lax.fori_loop(0, _NCHUNK, chunk, 0)


def kernel(idx, table):
    flat = idx.reshape(-1).astype(jnp.int32)
    out = _gather_rows(flat, table.reshape(-1))
    return out.reshape(idx.shape + (_VOCAB,))

# --- scband reference (transcript-rebuilt; emitter-appended) ---
"""Pipeline reference for scband-bigram-language-model-11897059410713 (READ-ONLY COPY).

The authoritative reference and input builder live on the scoring server;
editing this copy changes nothing except your own understanding.
"""

import jax, jax.numpy as jnp
import numpy as np

VOCAB = 1000
B, T = 1024, 50

def setup_inputs(seed: int = 0) -> dict:
    key = jax.random.key(seed)
    k_idx, k_tab = jax.random.split(key)
    idx = jax.random.randint(k_idx, (B, T), 0, VOCAB, dtype=jnp.int64 if jax.config.jax_enable_x64 else jnp.int32)
    table = jax.random.normal(k_tab, (VOCAB, VOCAB), dtype=jnp.float32)
    return {"idx": idx, "table": table}

def reference(idx, table):
    # BigramLanguageModel.forward with targets=None:
    # logits = token_embedding_table(idx)  -> gather rows of [VOCAB, VOCAB] table
    logits = jnp.take(table, idx, axis=0)  # [B, T, VOCAB]
    return logits

if __name__ == "__main__":
    import jax
    _d = setup_inputs()
    print(jax.jit(kernel)(*tuple(_d.values())))

</pallas_src>

<mosaic_0001>
#map = affine_map<(d0, d1) -> (0)>
module attributes {stable_mosaic.version = 14 : i64} {
  func.func @_gather_rows(%arg0: i32, %arg1: i32, %arg2: memref<51200xi32, #tpu.memory_space<hbm>>, %arg3: memref<1000000xf32, #tpu.memory_space<hbm>>, %arg4: memref<51200000xf32, #tpu.memory_space<hbm>>, %arg5: memref<1600xi32, #tpu.memory_space<vmem>>, %arg6: memref<64000xf32, #tpu.memory_space<vmem>>, %arg7: memref<!tpu.dma_semaphore, #tpu.memory_space<semaphore_mem>>) attributes {dimension_semantics = [#tpu.dimension_semantics<core_parallel>, #tpu.dimension_semantics<subcore_parallel>], iteration_bounds = array<i64: 2, 16>, scalar_prefetch = 0 : i64, scratch_operands = 3 : i64, tpu.core_type = #tpu.core_type<sc_vector_subcore>, window_params = [{transform_indices = #map}, {transform_indices = #map}, {transform_indices = #map}]} {
    %mul3A = arith.constant 2 : i32
    %mul3A_0 = arith.muli %arg1, %mul3A : i32
    %add3A = arith.addi %mul3A_0, %arg0 : i32
    %mul3A_1 = arith.constant 1600 : i32
    %mul3A_2 = arith.muli %add3A, %mul3A_1 : i32
    "tpu.region"() ({
      %run_scoped3A = tpu.sem_alloc : memref<!tpu.dma_semaphore, #tpu.memory_space<semaphore_mem>>
      %dma_start3A = tpu.memref_slice %arg2[%mul3A_2] : memref<51200xi32, #tpu.memory_space<hbm>> -> memref<1600xi32, #tpu.memory_space<hbm>>
      %dma_start3A_8 = tpu.memref_slice %arg2[%mul3A_2] : memref<51200xi32, #tpu.memory_space<hbm>> -> memref<1600xi32, #tpu.memory_space<hbm>>
      tpu.enqueue_dma source(%dma_start3A_8 : memref<1600xi32, #tpu.memory_space<hbm>>) target(%arg5 : memref<1600xi32, #tpu.memory_space<vmem>>) target_semaphore(%run_scoped3A : memref<!tpu.dma_semaphore, #tpu.memory_space<semaphore_mem>>)
      %dma_wait3A = tpu.memref_slice %arg2[%mul3A_2] : memref<51200xi32, #tpu.memory_space<hbm>> -> memref<1600xi32, #tpu.memory_space<hbm>>
      %dma_wait3A_9 = tpu.memref_slice %arg2[%mul3A_2] : memref<51200xi32, #tpu.memory_space<hbm>> -> memref<1600xi32, #tpu.memory_space<hbm>>
      tpu.wait_dma2 semaphore(%run_scoped3A : memref<!tpu.dma_semaphore, #tpu.memory_space<semaphore_mem>>) src(%dma_wait3A_9 : memref<1600xi32, #tpu.memory_space<hbm>>) dst(%arg5 : memref<1600xi32, #tpu.memory_space<vmem>>)
      tpu.yield
    }) : () -> ()
    %scan3A = arith.constant 0 : i32
    %scan3A_3 = arith.constant 0 : i32
    %scan3A_4 = arith.constant 25 : i32
    %scan3A_5 = arith.addi %scan3A_3, %scan3A_4 : i32
    %scan3A_6 = arith.constant 1 : i32
    scf.for %scan3A_8 = %scan3A_3 to %scan3A_5 step %scan3A_6  : i32 {
      %scan3A_9 = arith.constant 0 : i32
      %scan3A_10 = arith.constant 0 : i32
      %scan3A_11 = arith.constant 4 : i32
      %scan3A_12 = arith.addi %scan3A_10, %scan3A_11 : i32
      %scan3A_13 = arith.constant 1 : i32
      scf.for %scan3A_27 = %scan3A_10 to %scan3A_12 step %scan3A_13  : i32 {
        %mul3A_28 = arith.constant 64 : i32
        %mul3A_29 = arith.muli %scan3A_8, %mul3A_28 : i32
        %mul3A_30 = arith.constant 16 : i32
        %mul3A_31 = arith.muli %scan3A_27, %mul3A_30 : i32
        %add3A_32 = arith.addi %mul3A_29, %mul3A_31 : i32
        %get3A = arith.index_cast %add3A_32 : i32 to index
        %get3A_33 = tpu.vector_load %arg5[%get3A] {strides = array<i32>} : memref<1600xi32, #tpu.memory_space<vmem>>, vector<16xi32>,
        %get3A_34 = vector.shape_cast %get3A_33 : vector<16xi32> to vector<16xi32>
        %slice3A = vector.extract_strided_slice %get3A_34 {offsets = [0], sizes = [1], strides = [1]} : vector<16xi32> to vector<1xi32>
        %squeeze3A = vector.extract %slice3A[0] : i32 from vector<1xi32>
        %mul3A_35 = arith.constant 1000 : i32
        %mul3A_36 = arith.muli %squeeze3A, %mul3A_35 : i32
        %multiple_of3A_37 = tpu.assume_multiple %mul3A_36, 8 : i32
        %mul3A_38 = arith.constant 16 : i32
        %mul3A_39 = arith.muli %scan3A_27, %mul3A_38 : i32
        %add3A_40 = arith.constant 0 : i32
        %add3A_41 = arith.addi %mul3A_39, %add3A_40 : i32
        %mul3A_42 = arith.constant 1000 : i32
        %mul3A_43 = arith.muli %add3A_41, %mul3A_42 : i32
        %multiple_of3A_44 = tpu.assume_multiple %mul3A_43, 8 : i32
        %dma_start3A = tpu.memref_slice %arg6[%multiple_of3A_44] : memref<64000xf32, #tpu.memory_space<vmem>> -> memref<1000xf32, #tpu.memory_space<vmem>>
        %dma_start3A_45 = tpu.memref_slice %arg3[%multiple_of3A_37] : memref<1000000xf32, #tpu.memory_space<hbm>> -> memref<1000xf32, #tpu.memory_space<hbm>>
        %dma_start3A_46 = tpu.memref_slice %arg6[%multiple_of3A_44] : memref<64000xf32, #tpu.memory_space<vmem>> -> memref<1000xf32, #tpu.memory_space<vmem>>
        %dma_start3A_47 = tpu.memref_slice %arg3[%multiple_of3A_37] : memref<1000000xf32, #tpu.memory_space<hbm>> -> memref<1000xf32, #tpu.memory_space<hbm>>
        tpu.enqueue_dma source(%dma_start3A_47 : memref<1000xf32, #tpu.memory_space<hbm>>) target(%dma_start3A_46 : memref<1000xf32, #tpu.memory_space<vmem>>) target_semaphore(%arg7 : memref<!tpu.dma_semaphore, #tpu.memory_space<semaphore_mem>>)
        %slice3A_48 = vector.extract_strided_slice %get3A_34 {offsets = [1], sizes = [1], strides = [1]} : vector<16xi32> to vector<1xi32>
        %squeeze3A_49 = vector.extract %slice3A_48[0] : i32 from vector<1xi32>
        %mul3A_50 = arith.constant 1000 : i32
        %mul3A_51 = arith.muli %squeeze3A_49, %mul3A_50 : i32
        %multiple_of3A_52 = tpu.assume_multiple %mul3A_51, 8 : i32
        %mul3A_53 = arith.constant 16 : i32
        %mul3A_54 = arith.muli %scan3A_27, %mul3A_53 : i32
        %add3A_55 = arith.constant 1 : i32
        %add3A_56 = arith.addi %mul3A_54, %add3A_55 : i32
        %mul3A_57 = arith.constant 1000 : i32
        %mul3A_58 = arith.muli %add3A_56, %mul3A_57 : i32
        %multiple_of3A_59 = tpu.assume_multiple %mul3A_58, 8 : i32
        %dma_start3A_60 = tpu.memref_slice %arg6[%multiple_of3A_59] : memref<64000xf32, #tpu.memory_space<vmem>> -> memref<1000xf32, #tpu.memory_space<vmem>>
        %dma_start3A_61 = tpu.memref_slice %arg3[%multiple_of3A_52] : memref<1000000xf32, #tpu.memory_space<hbm>> -> memref<1000xf32, #tpu.memory_space<hbm>>
        %dma_start3A_62 = tpu.memref_slice %arg6[%multiple_of3A_59] : memref<64000xf32, #tpu.memory_space<vmem>> -> memref<1000xf32, #tpu.memory_space<vmem>>
        %dma_start3A_63 = tpu.memref_slice %arg3[%multiple_of3A_52] : memref<1000000xf32, #tpu.memory_space<hbm>> -> memref<1000xf32, #tpu.memory_space<hbm>>
        tpu.enqueue_dma source(%dma_start3A_63 : memref<1000xf32, #tpu.memory_space<hbm>>) target(%dma_start3A_62 : memref<1000xf32, #tpu.memory_space<vmem>>) target_semaphore(%arg7 : memref<!tpu.dma_semaphore, #tpu.memory_space<semaphore_mem>>)
        %slice3A_64 = vector.extract_strided_slice %get3A_34 {offsets = [2], sizes = [1], strides = [1]} : vector<16xi32> to vector<1xi32>
        %squeeze3A_65 = vector.extract %slice3A_64[0] : i32 from vector<1xi32>
        %mul3A_66 = arith.constant 1000 : i32
        %mul3A_67 = arith.muli %squeeze3A_65, %mul3A_66 : i32
        %multiple_of3A_68 = tpu.assume_multiple %mul3A_67, 8 : i32
        %mul3A_69 = arith.constant 16 : i32
        %mul3A_70 = arith.muli %scan3A_27, %mul3A_69 : i32
        %add3A_71 = arith.constant 2 : i32
        %add3A_72 = arith.addi %mul3A_70, %add3A_71 : i32
        %mul3A_73 = arith.constant 1000 : i32
        %mul3A_74 = arith.muli %add3A_72, %mul3A_73 : i32
        %multiple_of3A_75 = tpu.assume_multiple %mul3A_74, 8 : i32
        %dma_start3A_76 = tpu.memref_slice %arg6[%multiple_of3A_75] : memref<64000xf32, #tpu.memory_space<vmem>> -> memref<1000xf32, #tpu.memory_space<vmem>>
        %dma_start3A_77 = tpu.memref_slice %arg3[%multiple_of3A_68] : memref<1000000xf32, #tpu.memory_space<hbm>> -> memref<1000xf32, #tpu.memory_space<hbm>>
        %dma_start3A_78 = tpu.memref_slice %arg6[%multiple_of3A_75] : memref<64000xf32, #tpu.memory_space<vmem>> -> memref<1000xf32, #tpu.memory_space<vmem>>
        %dma_start3A_79 = tpu.memref_slice %arg3[%multiple_of3A_68] : memref<1000000xf32, #tpu.memory_space<hbm>> -> memref<1000xf32, #tpu.memory_space<hbm>>
        tpu.enqueue_dma source(%dma_start3A_79 : memref<1000xf32, #tpu.memory_space<hbm>>) target(%dma_start3A_78 : memref<1000xf32, #tpu.memory_space<vmem>>) target_semaphore(%arg7 : memref<!tpu.dma_semaphore, #tpu.memory_space<semaphore_mem>>)
        %slice3A_80 = vector.extract_strided_slice %get3A_34 {offsets = [3], sizes = [1], strides = [1]} : vector<16xi32> to vector<1xi32>
        %squeeze3A_81 = vector.extract %slice3A_80[0] : i32 from vector<1xi32>
        %mul3A_82 = arith.constant 1000 : i32
        %mul3A_83 = arith.muli %squeeze3A_81, %mul3A_82 : i32
        %multiple_of3A_84 = tpu.assume_multiple %mul3A_83, 8 : i32
        %mul3A_85 = arith.constant 16 : i32
        %mul3A_86 = arith.muli %scan3A_27, %mul3A_85 : i32
        %add3A_87 = arith.constant 3 : i32
        %add3A_88 = arith.addi %mul3A_86, %add3A_87 : i32
        %mul3A_89 = arith.constant 1000 : i32
        %mul3A_90 = arith.muli %add3A_88, %mul3A_89 : i32
        %multiple_of3A_91 = tpu.assume_multiple %mul3A_90, 8 : i32
        %dma_start3A_92 = tpu.memref_slice %arg6[%multiple_of3A_91] : memref<64000xf32, #tpu.memory_space<vmem>> -> memref<1000xf32, #tpu.memory_space<vmem>>
        %dma_start3A_93 = tpu.memref_slice %arg3[%multiple_of3A_84] : memref<1000000xf32, #tpu.memory_space<hbm>> -> memref<1000xf32, #tpu.memory_space<hbm>>
        %dma_start3A_94 = tpu.memref_slice %arg6[%multiple_of3A_91] : memref<64000xf32, #tpu.memory_space<vmem>> -> memref<1000xf32, #tpu.memory_space<vmem>>
        %dma_start3A_95 = tpu.memref_slice %arg3[%multiple_of3A_84] : memref<1000000xf32, #tpu.memory_space<hbm>> -> memref<1000xf32, #tpu.memory_space<hbm>>
        tpu.enqueue_dma source(%dma_start3A_95 : memref<1000xf32, #tpu.memory_space<hbm>>) target(%dma_start3A_94 : memref<1000xf32, #tpu.memory_space<vmem>>) target_semaphore(%arg7 : memref<!tpu.dma_semaphore, #tpu.memory_space<semaphore_mem>>)
        %slice3A_96 = vector.extract_strided_slice %get3A_34 {offsets = [4], sizes = [1], strides = [1]} : vector<16xi32> to vector<1xi32>
        %squeeze3A_97 = vector.extract %slice3A_96[0] : i32 from vector<1xi32>
        %mul3A_98 = arith.constant 1000 : i32
        %mul3A_99 = arith.muli %squeeze3A_97, %mul3A_98 : i32
        %multiple_of3A_100 = tpu.assume_multiple %mul3A_99, 8 : i32
        %mul3A_101 = arith.constant 16 : i32
        %mul3A_102 = arith.muli %scan3A_27, %mul3A_101 : i32
        %add3A_103 = arith.constant 4 : i32
        %add3A_104 = arith.addi %mul3A_102, %add3A_103 : i32
        %mul3A_105 = arith.constant 1000 : i32
        %mul3A_106 = arith.muli %add3A_104, %mul3A_105 : i32
        %multiple_of3A_107 = tpu.assume_multiple %mul3A_106, 8 : i32
        %dma_start3A_108 = tpu.memref_slice %arg6[%multiple_of3A_107] : memref<64000xf32, #tpu.memory_space<vmem>> -> memref<1000xf32, #tpu.memory_space<vmem>>
        %dma_start3A_109 = tpu.memref_slice %arg3[%multiple_of3A_100] : memref<1000000xf32, #tpu.memory_space<hbm>> -> memref<1000xf32, #tpu.memory_space<hbm>>
        %dma_start3A_110 = tpu.memref_slice %arg6[%multiple_of3A_107] : memref<64000xf32, #tpu.memory_space<vmem>> -> memref<1000xf32, #tpu.memory_space<vmem>>
        %dma_start3A_111 = tpu.memref_slice %arg3[%multiple_of3A_100] : memref<1000000xf32, #tpu.memory_space<hbm>> -> memref<1000xf32, #tpu.memory_space<hbm>>
        tpu.enqueue_dma source(%dma_start3A_111 : memref<1000xf32, #tpu.memory_space<hbm>>) target(%dma_start3A_110 : memref<1000xf32, #tpu.memory_space<vmem>>) target_semaphore(%arg7 : memref<!tpu.dma_semaphore, #tpu.memory_space<semaphore_mem>>)
        %slice3A_112 = vector.extract_strided_slice %get3A_34 {offsets = [5], sizes = [1], strides = [1]} : vector<16xi32> to vector<1xi32>
        %squeeze3A_113 = vector.extract %slice3A_112[0] : i32 from vector<1xi32>
        %mul3A_114 = arith.constant 1000 : i32
        %mul3A_115 = arith.muli %squeeze3A_113, %mul3A_114 : i32
        %multiple_of3A_116 = tpu.assume_multiple %mul3A_115, 8 : i32
        %mul3A_117 = arith.constant 16 : i32
        %mul3A_118 = arith.muli %scan3A_27, %mul3A_117 : i32
        %add3A_119 = arith.constant 5 : i32
        %add3A_120 = arith.addi %mul3A_118, %add3A_119 : i32
        %mul3A_121 = arith.constant 1000 : i32
        %mul3A_122 = arith.muli %add3A_120, %mul3A_121 : i32
        %multiple_of3A_123 = tpu.assume_multiple %mul3A_122, 8 : i32
        %dma_start3A_124 = tpu.memref_slice %arg6[%multiple_of3A_123] : memref<64000xf32, #tpu.memory_space<vmem>> -> memref<1000xf32, #tpu.memory_space<vmem>>
        %dma_start3A_125 = tpu.memref_slice %arg3[%multiple_of3A_116] : memref<1000000xf32, #tpu.memory_space<hbm>> -> memref<1000xf32, #tpu.memory_space<hbm>>
        %dma_start3A_126 = tpu.memref_slice %arg6[%multiple_of3A_123] : memref<64000xf32, #tpu.memory_space<vmem>> -> memref<1000xf32, #tpu.memory_space<vmem>>
        %dma_start3A_127 = tpu.memref_slice %arg3[%multiple_of3A_116] : memref<1000000xf32, #tpu.memory_space<hbm>> -> memref<1000xf32, #tpu.memory_space<hbm>>
        tpu.enqueue_dma source(%dma_start3A_127 : memref<1000xf32, #tpu.memory_space<hbm>>) target(%dma_start3A_126 : memref<1000xf32, #tpu.memory_space<vmem>>) target_semaphore(%arg7 : memref<!tpu.dma_semaphore, #tpu.memory_space<semaphore_mem>>)
        %slice3A_128 = vector.extract_strided_slice %get3A_34 {offsets = [6], sizes = [1], strides = [1]} : vector<16xi32> to vector<1xi32>
        %squeeze3A_129 = vector.extract %slice3A_128[0] : i32 from vector<1xi32>
        %mul3A_130 = arith.constant 1000 : i32
        %mul3A_131 = arith.muli %squeeze3A_129, %mul3A_130 : i32
        %multiple_of3A_132 = tpu.assume_multiple %mul3A_131, 8 : i32
        %mul3A_133 = arith.constant 16 : i32
        %mul3A_134 = arith.muli %scan3A_27, %mul3A_133 : i32
        %add3A_135 = arith.constant 6 : i32
        %add3A_136 = arith.addi %mul3A_134, %add3A_135 : i32
        %mul3A_137 = arith.constant 1000 : i32
        %mul3A_138 = arith.muli %add3A_136, %mul3A_137 : i32
        %multiple_of3A_139 = tpu.assume_multiple %mul3A_138, 8 : i32
        %dma_start3A_140 = tpu.memref_slice %arg6[%multiple_of3A_139] : memref<64000xf32, #tpu.memory_space<vmem>> -> memref<1000xf32, #tpu.memory_space<vmem>>
        %dma_start3A_141 = tpu.memref_slice %arg3[%multiple_of3A_132] : memref<1000000xf32, #tpu.memory_space<hbm>> -> memref<1000xf32, #tpu.memory_space<hbm>>
        %dma_start3A_142 = tpu.memref_slice %arg6[%multiple_of3A_139] : memref<64000xf32, #tpu.memory_space<vmem>> -> memref<1000xf32, #tpu.memory_space<vmem>>
        %dma_start3A_143 = tpu.memref_slice %arg3[%multiple_of3A_132] : memref<1000000xf32, #tpu.memory_space<hbm>> -> memref<1000xf32, #tpu.memory_space<hbm>>
        tpu.enqueue_dma source(%dma_start3A_143 : memref<1000xf32, #tpu.memory_space<hbm>>) target(%dma_start3A_142 : memref<1000xf32, #tpu.memory_space<vmem>>) target_semaphore(%arg7 : memref<!tpu.dma_semaphore, #tpu.memory_space<semaphore_mem>>)
        %slice3A_144 = vector.extract_strided_slice %get3A_34 {offsets = [7], sizes = [1], strides = [1]} : vector<16xi32> to vector<1xi32>
        %squeeze3A_145 = vector.extract %slice3A_144[0] : i32 from vector<1xi32>
        %mul3A_146 = arith.constant 1000 : i32
        %mul3A_147 = arith.muli %squeeze3A_145, %mul3A_146 : i32
        %multiple_of3A_148 = tpu.assume_multiple %mul3A_147, 8 : i32
        %mul3A_149 = arith.constant 16 : i32
        %mul3A_150 = arith.muli %scan3A_27, %mul3A_149 : i32
        %add3A_151 = arith.constant 7 : i32
        %add3A_152 = arith.addi %mul3A_150, %add3A_151 : i32
        %mul3A_153 = arith.constant 1000 : i32
        %mul3A_154 = arith.muli %add3A_152, %mul3A_153 : i32
        %multiple_of3A_155 = tpu.assume_multiple %mul3A_154, 8 : i32
        %dma_start3A_156 = tpu.memref_slice %arg6[%multiple_of3A_155] : memref<64000xf32, #tpu.memory_space<vmem>> -> memref<1000xf32, #tpu.memory_space<vmem>>
        %dma_start3A_157 = tpu.memref_slice %arg3[%multiple_of3A_148] : memref<1000000xf32, #tpu.memory_space<hbm>> -> memref<1000xf32, #tpu.memory_space<hbm>>
        %dma_start3A_158 = tpu.memref_slice %arg6[%multiple_of3A_155] : memref<64000xf32, #tpu.memory_space<vmem>> -> memref<1000xf32, #tpu.memory_space<vmem>>
        %dma_start3A_159 = tpu.memref_slice %arg3[%multiple_of3A_148] : memref<1000000xf32, #tpu.memory_space<hbm>> -> memref<1000xf32, #tpu.memory_space<hbm>>
        tpu.enqueue_dma source(%dma_start3A_159 : memref<1000xf32, #tpu.memory_space<hbm>>) target(%dma_start3A_158 : memref<1000xf32, #tpu.memory_space<vmem>>) target_semaphore(%arg7 : memref<!tpu.dma_semaphore, #tpu.memory_space<semaphore_mem>>)
        %slice3A_160 = vector.extract_strided_slice %get3A_34 {offsets = [8], sizes = [1], strides = [1]} : vector<16xi32> to vector<1xi32>
        %squeeze3A_161 = vector.extract %slice3A_160[0] : i32 from vector<1xi32>
        %mul3A_162 = arith.constant 1000 : i32
        %mul3A_163 = arith.muli %squeeze3A_161, %mul3A_162 : i32
        %multiple_of3A_164 = tpu.assume_multiple %mul3A_163, 8 : i32
        %mul3A_165 = arith.constant 16 : i32
        %mul3A_166 = arith.muli %scan3A_27, %mul3A_165 : i32
        %add3A_167 = arith.constant 8 : i32
        %add3A_168 = arith.addi %mul3A_166, %add3A_167 : i32
        %mul3A_169 = arith.constant 1000 : i32
        %mul3A_170 = arith.muli %add3A_168, %mul3A_169 : i32
        %multiple_of3A_171 = tpu.assume_multiple %mul3A_170, 8 : i32
        %dma_start3A_172 = tpu.memref_slice %arg6[%multiple_of3A_171] : memref<64000xf32, #tpu.memory_space<vmem>> -> memref<1000xf32, #tpu.memory_space<vmem>>
        %dma_start3A_173 = tpu.memref_slice %arg3[%multiple_of3A_164] : memref<1000000xf32, #tpu.memory_space<hbm>> -> memref<1000xf32, #tpu.memory_space<hbm>>
        %dma_start3A_174 = tpu.memref_slice %arg6[%multiple_of3A_171] : memref<64000xf32, #tpu.memory_space<vmem>> -> memref<1000xf32, #tpu.memory_space<vmem>>
        %dma_start3A_175 = tpu.memref_slice %arg3[%multiple_of3A_164] : memref<1000000xf32, #tpu.memory_space<hbm>> -> memref<1000xf32, #tpu.memory_space<hbm>>
        tpu.enqueue_dma source(%dma_start3A_175 : memref<1000xf32, #tpu.memory_space<hbm>>) target(%dma_start3A_174 : memref<1000xf32, #tpu.memory_space<vmem>>) target_semaphore(%arg7 : memref<!tpu.dma_semaphore, #tpu.memory_space<semaphore_mem>>)
        %slice3A_176 = vector.extract_strided_slice %get3A_34 {offsets = [9], sizes = [1], strides = [1]} : vector<16xi32> to vector<1xi32>
        %squeeze3A_177 = vector.extract %slice3A_176[0] : i32 from vector<1xi32>
        %mul3A_178 = arith.constant 1000 : i32
        %mul3A_179 = arith.muli %squeeze3A_177, %mul3A_178 : i32
        %multiple_of3A_180 = tpu.assume_multiple %mul3A_179, 8 : i32
        %mul3A_181 = arith.constant 16 : i32
        %mul3A_182 = arith.muli %scan3A_27, %mul3A_181 : i32
        %add3A_183 = arith.constant 9 : i32
        %add3A_184 = arith.addi %mul3A_182, %add3A_183 : i32
        %mul3A_185 = arith.constant 1000 : i32
        %mul3A_186 = arith.muli %add3A_184, %mul3A_185 : i32
        %multiple_of3A_187 = tpu.assume_multiple %mul3A_186, 8 : i32
        %dma_start3A_188 = tpu.memref_slice %arg6[%multiple_of3A_187] : memref<64000xf32, #tpu.memory_space<vmem>> -> memref<1000xf32, #tpu.memory_space<vmem>>
        %dma_start3A_189 = tpu.memref_slice %arg3[%multiple_of3A_180] : memref<1000000xf32, #tpu.memory_space<hbm>> -> memref<1000xf32, #tpu.memory_space<hbm>>
        %dma_start3A_190 = tpu.memref_slice %arg6[%multiple_of3A_187] : memref<64000xf32, #tpu.memory_space<vmem>> -> memref<1000xf32, #tpu.memory_space<vmem>>
        %dma_start3A_191 = tpu.memref_slice %arg3[%multiple_of3A_180] : memref<1000000xf32, #tpu.memory_space<hbm>> -> memref<1000xf32, #tpu.memory_space<hbm>>
        tpu.enqueue_dma source(%dma_start3A_191 : memref<1000xf32, #tpu.memory_space<hbm>>) target(%dma_start3A_190 : memref<1000xf32, #tpu.memory_space<vmem>>) target_semaphore(%arg7 : memref<!tpu.dma_semaphore, #tpu.memory_space<semaphore_mem>>)
        %slice3A_192 = vector.extract_strided_slice %get3A_34 {offsets = [10], sizes = [1], strides = [1]} : vector<16xi32> to vector<1xi32>
        %squeeze3A_193 = vector.extract %slice3A_192[0] : i32 from vector<1xi32>
        %mul3A_194 = arith.constant 1000 : i32
        %mul3A_195 = arith.muli %squeeze3A_193, %mul3A_194 : i32
        %multiple_of3A_196 = tpu.assume_multiple %mul3A_195, 8 : i32
        %mul3A_197 = arith.constant 16 : i32
        %mul3A_198 = arith.muli %scan3A_27, %mul3A_197 : i32
        %add3A_199 = arith.constant 10 : i32
        %add3A_200 = arith.addi %mul3A_198, %add3A_199 : i32
        %mul3A_201 = arith.constant 1000 : i32
        %mul3A_202 = arith.muli %add3A_200, %mul3A_201 : i32
        %multiple_of3A_203 = tpu.assume_multiple %mul3A_202, 8 : i32
        %dma_start3A_204 = tpu.memref_slice %arg6[%multiple_of3A_203] : memref<64000xf32, #tpu.memory_space<vmem>> -> memref<1000xf32, #tpu.memory_space<vmem>>
        %dma_start3A_205 = tpu.memref_slice %arg3[%multiple_of3A_196] : memref<1000000xf32, #tpu.memory_space<hbm>> -> memref<1000xf32, #tpu.memory_space<hbm>>
        %dma_start3A_206 = tpu.memref_slice %arg6[%multiple_of3A_203] : memref<64000xf32, #tpu.memory_space<vmem>> -> memref<1000xf32, #tpu.memory_space<vmem>>
        %dma_start3A_207 = tpu.memref_slice %arg3[%multiple_of3A_196] : memref<1000000xf32, #tpu.memory_space<hbm>> -> memref<1000xf32, #tpu.memory_space<hbm>>
        tpu.enqueue_dma source(%dma_start3A_207 : memref<1000xf32, #tpu.memory_space<hbm>>) target(%dma_start3A_206 : memref<1000xf32, #tpu.memory_space<vmem>>) target_semaphore(%arg7 : memref<!tpu.dma_semaphore, #tpu.memory_space<semaphore_mem>>)
        %slice3A_208 = vector.extract_strided_slice %get3A_34 {offsets = [11], sizes = [1], strides = [1]} : vector<16xi32> to vector<1xi32>
        %squeeze3A_209 = vector.extract %slice3A_208[0] : i32 from vector<1xi32>
        %mul3A_210 = arith.constant 1000 : i32
        %mul3A_211 = arith.muli %squeeze3A_209, %mul3A_210 : i32
        %multiple_of3A_212 = tpu.assume_multiple %mul3A_211, 8 : i32
        %mul3A_213 = arith.constant 16 : i32
        %mul3A_214 = arith.muli %scan3A_27, %mul3A_213 : i32
        %add3A_215 = arith.constant 11 : i32
        %add3A_216 = arith.addi %mul3A_214, %add3A_215 : i32
        %mul3A_217 = arith.constant 1000 : i32
        %mul3A_218 = arith.muli %add3A_216, %mul3A_217 : i32
        %multiple_of3A_219 = tpu.assume_multiple %mul3A_218, 8 : i32
        %dma_start3A_220 = tpu.memref_slice %arg6[%multiple_of3A_219] : memref<64000xf32, #tpu.memory_space<vmem>> -> memref<1000xf32, #tpu.memory_space<vmem>>
        %dma_start3A_221 = tpu.memref_slice %arg3[%multiple_of3A_212] : memref<1000000xf32, #tpu.memory_space<hbm>> -> memref<1000xf32, #tpu.memory_space<hbm>>
        %dma_start3A_222 = tpu.memref_slice %arg6[%multiple_of3A_219] : memref<64000xf32, #tpu.memory_space<vmem>> -> memref<1000xf32, #tpu.memory_space<vmem>>
        %dma_start3A_223 = tpu.memref_slice %arg3[%multiple_of3A_212] : memref<1000000xf32, #tpu.memory_space<hbm>> -> memref<1000xf32, #tpu.memory_space<hbm>>
        tpu.enqueue_dma source(%dma_start3A_223 : memref<1000xf32, #tpu.memory_space<hbm>>) target(%dma_start3A_222 : memref<1000xf32, #tpu.memory_space<vmem>>) target_semaphore(%arg7 : memref<!tpu.dma_semaphore, #tpu.memory_space<semaphore_mem>>)
        %slice3A_224 = vector.extract_strided_slice %get3A_34 {offsets = [12], sizes = [1], strides = [1]} : vector<16xi32> to vector<1xi32>
        %squeeze3A_225 = vector.extract %slice3A_224[0] : i32 from vector<1xi32>
        %mul3A_226 = arith.constant 1000 : i32
        %mul3A_227 = arith.muli %squeeze3A_225, %mul3A_226 : i32
        %multiple_of3A_228 = tpu.assume_multiple %mul3A_227, 8 : i32
        %mul3A_229 = arith.constant 16 : i32
        %mul3A_230 = arith.muli %scan3A_27, %mul3A_229 : i32
        %add3A_231 = arith.constant 12 : i32
        %add3A_232 = arith.addi %mul3A_230, %add3A_231 : i32
        %mul3A_233 = arith.constant 1000 : i32
        %mul3A_234 = arith.muli %add3A_232, %mul3A_233 : i32
        %multiple_of3A_235 = tpu.assume_multiple %mul3A_234, 8 : i32
        %dma_start3A_236 = tpu.memref_slice %arg6[%multiple_of3A_235] : memref<64000xf32, #tpu.memory_space<vmem>> -> memref<1000xf32, #tpu.memory_space<vmem>>
        %dma_start3A_237 = tpu.memref_slice %arg3[%multiple_of3A_228] : memref<1000000xf32, #tpu.memory_space<hbm>> -> memref<1000xf32, #tpu.memory_space<hbm>>
        %dma_start3A_238 = tpu.memref_slice %arg6[%multiple_of3A_235] : memref<64000xf32, #tpu.memory_space<vmem>> -> memref<1000xf32, #tpu.memory_space<vmem>>
        %dma_start3A_239 = tpu.memref_slice %arg3[%multiple_of3A_228] : memref<1000000xf32, #tpu.memory_space<hbm>> -> memref<1000xf32, #tpu.memory_space<hbm>>
        tpu.enqueue_dma source(%dma_start3A_239 : memref<1000xf32, #tpu.memory_space<hbm>>) target(%dma_start3A_238 : memref<1000xf32, #tpu.memory_space<vmem>>) target_semaphore(%arg7 : memref<!tpu.dma_semaphore, #tpu.memory_space<semaphore_mem>>)
        %slice3A_240 = vector.extract_strided_slice %get3A_34 {offsets = [13], sizes = [1], strides = [1]} : vector<16xi32> to vector<1xi32>
        %squeeze3A_241 = vector.extract %slice3A_240[0] : i32 from vector<1xi32>
        %mul3A_242 = arith.constant 1000 : i32
        %mul3A_243 = arith.muli %squeeze3A_241, %mul3A_242 : i32
        %multiple_of3A_244 = tpu.assume_multiple %mul3A_243, 8 : i32
        %mul3A_245 = arith.constant 16 : i32
        %mul3A_246 = arith.muli %scan3A_27, %mul3A_245 : i32
        %add3A_247 = arith.constant 13 : i32
        %add3A_248 = arith.addi %mul3A_246, %add3A_247 : i32
        %mul3A_249 = arith.constant 1000 : i32
        %mul3A_250 = arith.muli %add3A_248, %mul3A_249 : i32
        %multiple_of3A_251 = tpu.assume_multiple %mul3A_250, 8 : i32
        %dma_start3A_252 = tpu.memref_slice %arg6[%multiple_of3A_251] : memref<64000xf32, #tpu.memory_space<vmem>> -> memref<1000xf32, #tpu.memory_space<vmem>>
        %dma_start3A_253 = tpu.memref_slice %arg3[%multiple_of3A_244] : memref<1000000xf32, #tpu.memory_space<hbm>> -> memref<1000xf32, #tpu.memory_space<hbm>>
        %dma_start3A_254 = tpu.memref_slice %arg6[%multiple_of3A_251] : memref<64000xf32, #tpu.memory_space<vmem>> -> memref<1000xf32, #tpu.memory_space<vmem>>
        %dma_start3A_255 = tpu.memref_slice %arg3[%multiple_of3A_244] : memref<1000000xf32, #tpu.memory_space<hbm>> -> memref<1000xf32, #tpu.memory_space<hbm>>
        tpu.enqueue_dma source(%dma_start3A_255 : memref<1000xf32, #tpu.memory_space<hbm>>) target(%dma_start3A_254 : memref<1000xf32, #tpu.memory_space<vmem>>) target_semaphore(%arg7 : memref<!tpu.dma_semaphore, #tpu.memory_space<semaphore_mem>>)
        %slice3A_256 = vector.extract_strided_slice %get3A_34 {offsets = [14], sizes = [1], strides = [1]} : vector<16xi32> to vector<1xi32>
        %squeeze3A_257 = vector.extract %slice3A_256[0] : i32 from vector<1xi32>
        %mul3A_258 = arith.constant 1000 : i32
        %mul3A_259 = arith.muli %squeeze3A_257, %mul3A_258 : i32
        %multiple_of3A_260 = tpu.assume_multiple %mul3A_259, 8 : i32
        %mul3A_261 = arith.constant 16 : i32
        %mul3A_262 = arith.muli %scan3A_27, %mul3A_261 : i32
        %add3A_263 = arith.constant 14 : i32
        %add3A_264 = arith.addi %mul3A_262, %add3A_263 : i32
        %mul3A_265 = arith.constant 1000 : i32
        %mul3A_266 = arith.muli %add3A_264, %mul3A_265 : i32
        %multiple_of3A_267 = tpu.assume_multiple %mul3A_266, 8 : i32
        %dma_start3A_268 = tpu.memref_slice %arg6[%multiple_of3A_267] : memref<64000xf32, #tpu.memory_space<vmem>> -> memref<1000xf32, #tpu.memory_space<vmem>>
        %dma_start3A_269 = tpu.memref_slice %arg3[%multiple_of3A_260] : memref<1000000xf32, #tpu.memory_space<hbm>> -> memref<1000xf32, #tpu.memory_space<hbm>>
        %dma_start3A_270 = tpu.memref_slice %arg6[%multiple_of3A_267] : memref<64000xf32, #tpu.memory_space<vmem>> -> memref<1000xf32, #tpu.memory_space<vmem>>
        %dma_start3A_271 = tpu.memref_slice %arg3[%multiple_of3A_260] : memref<1000000xf32, #tpu.memory_space<hbm>> -> memref<1000xf32, #tpu.memory_space<hbm>>
        tpu.enqueue_dma source(%dma_start3A_271 : memref<1000xf32, #tpu.memory_space<hbm>>) target(%dma_start3A_270 : memref<1000xf32, #tpu.memory_space<vmem>>) target_semaphore(%arg7 : memref<!tpu.dma_semaphore, #tpu.memory_space<semaphore_mem>>)
        %slice3A_272 = vector.extract_strided_slice %get3A_34 {offsets = [15], sizes = [1], strides = [1]} : vector<16xi32> to vector<1xi32>
        %squeeze3A_273 = vector.extract %slice3A_272[0] : i32 from vector<1xi32>
        %mul3A_274 = arith.constant 1000 : i32
        %mul3A_275 = arith.muli %squeeze3A_273, %mul3A_274 : i32
        %multiple_of3A_276 = tpu.assume_multiple %mul3A_275, 8 : i32
        %mul3A_277 = arith.constant 16 : i32
        %mul3A_278 = arith.muli %scan3A_27, %mul3A_277 : i32
        %add3A_279 = arith.constant 15 : i32
        %add3A_280 = arith.addi %mul3A_278, %add3A_279 : i32
        %mul3A_281 = arith.constant 1000 : i32
        %mul3A_282 = arith.muli %add3A_280, %mul3A_281 : i32
        %multiple_of3A_283 = tpu.assume_multiple %mul3A_282, 8 : i32
        %dma_start3A_284 = tpu.memref_slice %arg6[%multiple_of3A_283] : memref<64000xf32, #tpu.memory_space<vmem>> -> memref<1000xf32, #tpu.memory_space<vmem>>
        %dma_start3A_285 = tpu.memref_slice %arg3[%multiple_of3A_276] : memref<1000000xf32, #tpu.memory_space<hbm>> -> memref<1000xf32, #tpu.memory_space<hbm>>
        %dma_start3A_286 = tpu.memref_slice %arg6[%multiple_of3A_283] : memref<64000xf32, #tpu.memory_space<vmem>> -> memref<1000xf32, #tpu.memory_space<vmem>>
        %dma_start3A_287 = tpu.memref_slice %arg3[%multiple_of3A_276] : memref<1000000xf32, #tpu.memory_space<hbm>> -> memref<1000xf32, #tpu.memory_space<hbm>>
        tpu.enqueue_dma source(%dma_start3A_287 : memref<1000xf32, #tpu.memory_space<hbm>>) target(%dma_start3A_286 : memref<1000xf32, #tpu.memory_space<vmem>>) target_semaphore(%arg7 : memref<!tpu.dma_semaphore, #tpu.memory_space<semaphore_mem>>)
      }
      %scan3A_14 = arith.constant 4 : i32
      %dma_wait3A = arith.constant 0 : i32
      %dma_wait3A_15 = tpu.memref_slice %arg6[%dma_wait3A] : memref<64000xf32, #tpu.memory_space<vmem>> -> memref<64000xf32, #tpu.memory_space<vmem>>
      %dma_wait3A_16 = arith.constant 0 : i32
      %dma_wait3A_17 = tpu.memref_slice %arg3[%dma_wait3A_16] : memref<1000000xf32, #tpu.memory_space<hbm>> -> memref<64000xf32, #tpu.memory_space<hbm>>
      %dma_wait3A_18 = arith.constant 0 : i32
      %dma_wait3A_19 = tpu.memref_slice %arg6[%dma_wait3A_18] : memref<64000xf32, #tpu.memory_space<vmem>> -> memref<64000xf32, #tpu.memory_space<vmem>>
      %dma_wait3A_20 = arith.constant 0 : i32
      %dma_wait3A_21 = tpu.memref_slice %arg3[%dma_wait3A_20] : memref<1000000xf32, #tpu.memory_space<hbm>> -> memref<64000xf32, #tpu.memory_space<hbm>>
      tpu.wait_dma2 semaphore(%arg7 : memref<!tpu.dma_semaphore, #tpu.memory_space<semaphore_mem>>) src(%dma_wait3A_21 : memref<64000xf32, #tpu.memory_space<hbm>>) dst(%dma_wait3A_19 : memref<64000xf32, #tpu.memory_space<vmem>>)
      %mul3A_22 = arith.constant 64 : i32
      %mul3A_23 = arith.muli %scan3A_8, %mul3A_22 : i32
      %add3A_24 = arith.addi %mul3A_2, %mul3A_23 : i32
      %mul3A_25 = arith.constant 1000 : i32
      %mul3A_26 = arith.muli %add3A_24, %mul3A_25 : i32
      %multiple_of3A = tpu.assume_multiple %mul3A_26, 8 : i32
      "tpu.region"() ({
        %run_scoped3A = tpu.sem_alloc : memref<!tpu.dma_semaphore, #tpu.memory_space<semaphore_mem>>
        %dma_start3A = tpu.memref_slice %arg4[%multiple_of3A] : memref<51200000xf32, #tpu.memory_space<hbm>> -> memref<64000xf32, #tpu.memory_space<hbm>>
        %dma_start3A_27 = tpu.memref_slice %arg4[%multiple_of3A] : memref<51200000xf32, #tpu.memory_space<hbm>> -> memref<64000xf32, #tpu.memory_space<hbm>>
        tpu.enqueue_dma source(%arg6 : memref<64000xf32, #tpu.memory_space<vmem>>) target(%dma_start3A_27 : memref<64000xf32, #tpu.memory_space<hbm>>) target_semaphore(%run_scoped3A : memref<!tpu.dma_semaphore, #tpu.memory_space<semaphore_mem>>)
        %dma_wait3A_28 = tpu.memref_slice %arg4[%multiple_of3A] : memref<51200000xf32, #tpu.memory_space<hbm>> -> memref<64000xf32, #tpu.memory_space<hbm>>
        %dma_wait3A_29 = tpu.memref_slice %arg4[%multiple_of3A] : memref<51200000xf32, #tpu.memory_space<hbm>> -> memref<64000xf32, #tpu.memory_space<hbm>>
        tpu.wait_dma2 semaphore(%run_scoped3A : memref<!tpu.dma_semaphore, #tpu.memory_space<semaphore_mem>>) src(%arg6 : memref<64000xf32, #tpu.memory_space<vmem>>) dst(%dma_wait3A_29 : memref<64000xf32, #tpu.memory_space<hbm>>)
        tpu.yield
      }) : () -> ()
    }
    %scan3A_7 = arith.constant 25 : i32
    return
  }
}

</mosaic_0001>

<sc_bundles>
// kernel: kernel.3.cloned.1.call-start
scs
__scs_entry_jumppad:
0x0: {  	(pc) =	sbr.rel $0x88, $3  }
0x1: {  	(tag) =	ssettag $0x0;
	lr =	simm.s32 $0x1  }
0x2: {  	[smem:$0x3F9F] =	sst lr;
	_ =	strace $0xD0000000  }
0x3: {  	_ = 	snop  }
0x4: {  	_ = 	snop  }
0x5: {  	_ = 	snop  }
0x6: {  	_ = 	snop  }
0x7: {  	_ = 	snop  }
__scs_overlays_trampoline_lowered:
0x8: {  	[smem:$0x3FAE] =	sst s0  }
0x9: {  	[smem:$0x3FAF] =	sst s1  }
0xa: {  	[smem:$0x3FB0] =	sst s2  }
0xb: {  	[smem:$0x3FB1] =	sst s3  }
0xc: {  	[smem:$0x3FB2] =	sst s4  }
0xd: {  	[smem:$0x3FB3] =	sst s5  }
0xe: {  	[smem:$0x3FB4] =	sst s6  }
0xf: {  	[smem:$0x3FB5] =	sst s7  }
0x10: {  	[smem:$0x3FB6] =	sst s8  }
0x11: {  	[smem:$0x3FB7] =	sst s9;
	s0 =	simm.s32 @!p0 $0x0  }
0x12: {  	s1 =	sld [smem:$0x3F9D];
	s0 =	simm.s32 @p0 $0x1  }
0x13: {  	[smem:$0x3FB8] =	sst s0;
	s0 =	simm.s32 @!p1 $0x0  }
0x14: {  	s2 =	sld [smem:$0x3F9C];
	s0 =	simm.s32 @p1 $0x1  }
0x15: {  	[smem:$0x3FB9] =	sst s0;
	s0 =	simm.s32 @!p2 $0x0  }
0x16: {  	s3 =	sld [smem:$0x3FDB];
	s0 =	simm.s32 @p2 $0x1  }
0x17: {  	s4 =	simm.s32 $0x1BF5;
	[smem:$0x3FBB] =	sst s0  }
0x18: {  	s0 =	sld [smem:$0x3F9E];
	_ =	swait.ge [sflag:s4], $0x0  }
0x19: {  	s7 =	sld [smem:$0x3F9F]  }
0x1a: {  	s8 =	sadd.s32 $0xFFFFE003, lr  }
0x1b: {  	s9 =	sadd.s32 $0xFFFFFEF7, lr;
	s5 =	simm.s32 $0xFFFFFFFF;
	p2 =	slt.u32 s8, $0xFFFFF086  }
0x1c: {  	p1 =	slt.u32 s9, $0xF7A;
	s5 =	simm.s32 @!p2 $0x0  }
0x1d: {  	s5 =	simm.s32 @p1 $0x1;
	p0 =	seq.s32 s7, s2  }
0x1e: {  	s7 =	smul.u32 @!p0 $0xF7A, s2;
	p2 =	seq.s32 @!p0 s5, $0x0  }
0x1f: {  	s9 =	smul.u32 $0xF7A, s1;
	s8 =	simm.s32 @!p0 $0x1BF5;
	p2 =	por !p2, p0  }
0x20: {  	[sflag:s8] =	ssyncset.s32 @!p0 $0xFFFFF086;
	s6 =	sadd.s32 @!p0 s3, s7;
	s7 =	simm.s32 @!p0 $0x108  }
0x21: {  	s3 =	sadd.s32 s3, s9;
	s6 =	sadd.s32 @!p0 $0x88, s6;
	s7 =	simm.s32 @p2 $0x1082  }
0x22: {  	[simem:s7], [sflag:s8] =	dma.local @!p0 [hbm:s6], $0xF7A  }
0x23: {  	s9 =	sor.u32 $0xD0000000, s2;
	s6 =	simm.s32 $0x108;
	_ =	swait.ge @!p0 [sflag:s8], $0x0  }
0x24: {  	s3 =	sadd.s32 $0x88, s3;
	s6 =	simm.s32 @!p1 $0x1082;
	[sflag:s4] =	ssyncset.s32 $0xFFFFF086  }
0x25: {  	[simem:s6], [sflag:s4] =	dma.local [hbm:s3], $0xF7A  }
0x26: {  	[smem:$0x3F9F] =	sst s1;
	(tag) =	ssettag s2;
	_ =	strace s9  }
0x27: {  	s1 =	sld [smem:$0x3FAF]  }
0x28: {  	s2 =	sld [smem:$0x3FB0]  }
0x29: {  	s4 =	sld [smem:$0x3FB2]  }
0x2a: {  	p0 =	seq.s32 s5, $0x0;
	s5 =	sld [smem:$0x3FB3]  }
0x2b: {  	s6 =	sld [smem:$0x3FB4]  }
0x2c: {  	s7 =	sld [smem:$0x3FB5]  }
0x2d: {  	s3 =	simm.s32 $0x108;
	s8 =	sld [smem:$0x3FB6]  }
0x2e: {  	s3 =	simm.s32 @!p0 $0x1082;
	s9 =	sld [smem:$0x3FB7]  }
0x2f: {  	lr =	sadd.s32 s0, s3;
	s0 =	sld [smem:$0x3FAE]  }
0x30: {  	s3 =	sld [smem:$0x3FB1]  }
0x31: {  	[smem:$0x3FBA] =	sst s10  }
0x32: {  	s10 =	sld [smem:$0x3FB8];
	_ =	sdelay $0x3  }
0x33: {  	p0 =	seq.s32 s10, $0x1;
	s10 =	sld [smem:$0x3FBA];
	_ =	sdelay $0x3  }
0x34: {  	[smem:$0x3FBA] =	sst s10  }
0x35: {  	s10 =	sld [smem:$0x3FB9];
	_ =	sdelay $0x3  }
0x36: {  	p1 =	seq.s32 s10, $0x1;
	s10 =	sld [smem:$0x3FBA];
	_ =	sdelay $0x3  }
0x37: {  	[smem:$0x3FBA] =	sst s10  }
0x38: {  	s10 =	sld [smem:$0x3FBB]  }
0x39: {  	_ = 	snop;
	(pc) =	sbr.ind lr, $3  }
0x3a: {  	_ = 	snop  }
0x3b: {  	_ = 	snop  }
0x3c: {  	p2 =	seq.s32 s10, $0x1;
	s10 =	sld [smem:$0x3FBA]  }
0x3d: {  	_ =	shalt  }
0x3e: {  	_ =	shalt  }
0x3f: {  	_ =	shalt  }
0x40: {  	_ =	shalt  }
0x41: {  	_ =	shalt  }
0x42: {  	_ =	shalt  }
0x43: {  	_ =	shalt  }
0x44: {  	_ =	shalt  }
0x45: {  	_ =	shalt  }
0x46: {  	_ =	shalt  }
0x47: {  	_ =	shalt  }
0x48: {  	_ =	shalt  }
0x49: {  	_ =	shalt  }
0x4a: {  	_ =	shalt  }
0x4b: {  	_ =	shalt  }
0x4c: {  	_ =	shalt  }
0x4d: {  	_ =	shalt  }
0x4e: {  	_ =	shalt  }
0x4f: {  	_ =	shalt  }
0x50: {  	_ =	shalt  }
0x51: {  	_ =	shalt  }
0x52: {  	_ =	shalt  }
0x53: {  	_ =	shalt  }
0x54: {  	_ =	shalt  }
0x55: {  	_ =	shalt  }
0x56: {  	_ =	shalt  }
0x57: {  	_ =	shalt  }
0x58: {  	_ =	shalt  }
0x59: {  	_ =	shalt  }
0x5a: {  	_ =	shalt  }
0x5b: {  	_ =	shalt  }
0x5c: {  	_ =	shalt  }
0x5d: {  	_ =	shalt  }
0x5e: {  	_ =	shalt  }
0x5f: {  	_ =	shalt  }
0x60: {  	_ =	shalt  }
0x61: {  	_ =	shalt  }
0x62: {  	_ =	shalt  }
0x63: {  	_ =	shalt  }
0x64: {  	_ =	shalt  }
0x65: {  	_ =	shalt  }
0x66: {  	_ =	shalt  }
0x67: {  	_ =	shalt  }
0x68: {  	_ =	shalt  }
0x69: {  	_ =	shalt  }
0x6a: {  	_ =	shalt  }
0x6b: {  	_ =	shalt  }
0x6c: {  	_ =	shalt  }
0x6d: {  	_ =	shalt  }
0x6e: {  	_ =	shalt  }
0x6f: {  	_ =	shalt  }
0x70: {  	_ =	shalt  }
0x71: {  	_ =	shalt  }
0x72: {  	_ =	shalt  }
0x73: {  	_ =	shalt  }
0x74: {  	_ =	shalt  }
0x75: {  	_ =	shalt  }
0x76: {  	_ =	shalt  }
0x77: {  	_ =	shalt  }
0x78: {  	_ =	shalt  }
0x79: {  	_ =	shalt  }
0x7a: {  	_ =	shalt  }
0x7b: {  	_ =	shalt  }
0x7c: {  	_ =	shalt  }
0x7d: {  	_ =	shalt  }
0x7e: {  	_ =	shalt  }
0x7f: {  	_ =	shalt  }
0x80: {  	_ =	shalt  }
0x81: {  	_ =	shalt  }
0x82: {  	_ =	shalt  }
0x83: {  	_ =	shalt  }
0x84: {  	_ =	shalt  }
0x85: {  	_ =	shalt  }
0x86: {  	_ =	shalt  }
0x87: {  	_ =	shalt  }
.Lfunc_end0:
.L_simem_size_0:
called_computation.1_lowered:
.L_overlay_start_0:
0x88: {  	s2 =	sld [smem:$0x3FD9]  }
0x89: {  	s3 =	sld [smem:$0x3FFE];
	_ =	sdelay $0x1  }
0x8a: {  	s1 =	srdreg.scid  }
0x8b: {  	s0 =	sand.u32 $0x1, s1  }
0x8c: {  	s17 =	sshll.u32 s0, $0xA;
	s2 =	sadd.s32 s3, s2  }
0x8d: {  	s2 =	sadd.s32 s2, s17  }
0x8e: {  	[smem:$0x3FC6] =	sst s2  }
0x8f: {  	_ = 	snop  }
0x90: {  	s2 =	sld [smem:$0x3FD0];
	(tm) =	ssettm $0x1  }
0x91: {  	s18 =	sld [smem:$0x3FFB];
	_ =	sdelay $0x3  }
0x92: {  	_ =	strace s18  }
0x93: {  	s3 =	sld [smem:$0x3FFC];
	_ =	sdelay $0x3  }
0x94: {  	_ =	strace s3  }
0x95: {  	s3 =	sld [smem:$0x3FFD];
	_ =	sdelay $0x3  }
0x96: {  	_ =	strace s3  }
0x97: {  	_ =	strace $0x8FFFFFFF  }
0x98: {  	s19 =	sld [smem:$0x3FDB];
	_ =	sdelay $0x1  }
0x99: {  	s4 =	simm.s32 $_scs_section_size  }
0x9a: {  	s5 =	simm.s32 $_size__tile_overlayer_lowered;
	s6 =	simm.s32 $_tile_overlayer_lowered  }
0x9b: {  	s22 =	simm.s32 $0x1BFF;
	s21 =	sshll.u32 s6, $0x1;
	s3 =	sadd.s32 s4, s19  }
0x9c: {  	s7 =	simm.s32 $0x0;
	s20 =	sshll.u32 s5, $0x1;
	s5 =	sadd.s32 s21, s3  }
0x9d: {  	[timem:s7], [sflag:s22] =	dma.local [hbm:s5], s20  }
0x9e: {  	_ =	swait.ge [sflag:s22], s20  }
0x9f: {  	s4 =	ssub.s32 $0x0, s20;
	[sflag:s22] =	ssyncset.done $0x0  }
0xa0: {  	[sflag:s22] =	ssyncadd.s32 s4;
	_ =	sdelay $0x1  }
0xa1: {  	s23 =	simm.s32 $0x1B8B  }
0xa2: {  	_ =	swait.ge [sflag:s23], $0x1  }
0xa3: {  	[sflag:s23] =	ssyncset.done $0x0  }
0xa4: {  	s25 =	simm.s32 $0x1B8E;
	s24 =	sld [smem:$0x3FFE];
	[sflag:s23] =	ssyncadd.s32 $0xFFFFFFFF  }
0xa5: {  	s26 =	simm.s32 $execute0_lowered;
	[smem:$0x3FD2] =	sst s25  }
0xa6: {  	s5 =	sshll.u32 s26, $0x1;
	_ =	strace $0x80000046;
	[dreg:$0x1] =	wrdreg $0xFFFFFFFF  }
0xa7: {  	s28 =	simm.s32 $_size_execute0_lowered;
	s3 =	sadd.s32 s3, s5;
	[dreg:$0x0] =	wrdreg $0x0  }
0xa8: {  	s5 =	sshll.u32 s28, $0x1;
	[dreg:$0x2] =	wrdreg s3  }
0xa9: {  	[dreg:$0x3] =	wrdreg s5  }
0xaa: {  	[dreg:$0x4] =	wrdreg $0xC0  }
0xab: {  	_ =	task [dreg:s7], $0x5FFFF  }
0xac: {  	[dreg:$0x1] =	wrdreg $0xFFFFFFFF  }
0xad: {  	[dreg:$0x0] =	wrdreg $0x60  }
0xae: {  	[dreg:$0x2] =	wrdreg s24  }
0xaf: {  	[dreg:$0x3] =	wrdreg s2  }
0xb0: {  	[dreg:$0x4] =	wrdreg $0x9  }
0xb1: {  	_ =	task.clear_ibuf [dreg:s7], $0x5FFFF;
	_ =	strace $0x90000046  }
0xb2: {  	s29 =	simm.s32 $0x9;
	_ =	strace $0x80000048  }
0xb3: {  	_ =	swait.ge [sflag:s29], $0x1  }
0xb4: {  	[sflag:s29] =	ssyncadd.s32 $0xFFFFFFFF  }
0xb5: {  	_ =	strace $0x90000048  }
0xb6: {  	_ =	sfence  }
0xb7: {  	s30 =	sld [smem:$0x0];
	_ =	sdelay $0x2  }
0xb8: {  	s31 =	sshll.u32 s1, $0xD;
	s1 =	sshrl.u32 s1, $0x2  }
0xb9: {  	s3 =	sand.u32 $0x4000, s31;
	s1 =	sadd.s32 s1, s30  }
0xba: {  	s0 =	sor.u32 s3, s0;
	s1 =	sshll.u32 s1, $0x11  }
0xbb: {  	s0 =	sor.u32 s1, s0  }
0xbc: {  	s0 =	sadd.s32 $0x8F2B, s0  }
0xbd: {  	[sflag:s0] =	ssyncadd.remote.s32 $0x1  }
0xbe: {  	_ =	sfence.sel $0xFFFF  }
0xbf: {  	[dreg:$0x0] =	wrdreg $0xFFFFFFFF;
	(pc) =	sbr.abs _section_cstart, $3  }
0xc0: {  	[dreg:$0x1] =	wrdreg $0xFFFFFFFF  }
0xc1: {  	_ =	task.clear_ibuf [dreg:s7], $0x2FFFF;
	_ =	strace $0x9FFFFFFF  }
0xc2: {  	(tm) =	ssettm $0x7FFFFFFF  }
0xc3: {  	_ =	shalt  }
tec
execute0_lowered:
.L_overlay_start_1:
0x0: {  	(tag) =	ssettag $0x1  }
0x1: {  	s5 =	rddreg [dreg:$0x0];
	s1 =	srdreg.scid  }
0x2: {  	s0 =	stileid.u32;
	s2 =	rddreg [dreg:$0x1]  }
0x3: {  	s3 =	simm.s32 $0x0;
	s6 =	sand.u32 $0x1, s1;
	s4 =	sshll.u32 s0, $0x1  }
0x4: {  	s10 =	simm.s32 $0x0;
	s1 =	rddreg [dreg:$0x2];
	s4 =	sor.u32 s6, s4  }
0x5: {  	[smem:$0x7FF] =	sst s3;
	s8 =	sadd.s32 $0x2200, s5;
	s4 =	smul.u32 $0x640, s4  }
0x6: {  	_ =	strace $0x80000047;
	s6 =	ssub.s32 $0x2, s6;
	[dreg:$0x3] =	wrdreg s8  }
0x7: {  	s8 =	simm.s32 $0x1;
	s9 =	sshrl.u32 s6, $0x1;
	s7 =	sshrl.u32 s4, $0x3  }
0x8: {  	s6 =	ssub.s32 s6, s9;
	s9 =	simm.s32 $0x680;
	s5 =	sadd.s32 s7, s5  }
0x9: {  	s6 =	smax.u32 s6, $0x1;
	s7 =	simm.s32 $0x2;
	s5 =	sadd.s32 $0x800, s5  }
.LBB2_1:
0xa: {  	[tilespmem:s3], [sflag:$0x2] =	stream.linear.gather [hbm4b:s5+s3], $0x640, $0x38;
	[tilespmem:$0x10080] =	vst v63  }
0xb: {  	_ =	swait.ge [sflag:s7], $0x640  }
0xc: {  	[sflag:s7] =	ssyncset.done $0x0  }
0xd: {  	s11 =	simm.s32 $0x0;
	s12 =	simm.s32 $0x0;
	[sflag:s7] =	ssyncadd.s32 $0xFFFFF9C0  }
.LBB2_2:
0xe: {  	v0 =	vld [tilespmem:s11+$0x0];
	_ =	sdelay $0x4  }
0xf: {  	v0 =	vmul.u32 $0x3E8, v0;
	_ =	sdelay $0x1  }
0x10: {  	s13 =	rddreg [dreg:$0x3];
	v0 =	vshrl.u32 v0, $0x3  }
0x11: {  	v0 =	vadd.s32 s13, v0  }
0x12: {  	(v2sf) =	vpush v0, $0x0;
	_ =	sdelay $0x1  }
0x13: {  	(v2sf) =	vpush v0, $0x1;
	_ =	sdelay $0x1  }
0x14: {  	(v2sf) =	vpush v0, $0x2;
	_ =	sdelay $0x1  }
0x15: {  	(v2sf) =	vpush v0, $0x3;
	_ =	sdelay $0x1  }
0x16: {  	(v2sf) =	vpush v0, $0x4;
	_ =	sdelay $0x1  }
0x17: {  	(v2sf) =	vpush v0, $0x5;
	_ =	sdelay $0x1  }
0x18: {  	(v2sf) =	vpush v0, $0x6;
	_ =	sdelay $0x1  }
0x19: {  	(v2sf) =	vpush v0, $0x7  }
0x1a: {  	s18 =	simm.s32 $0x680;
	s14 =	spop (v2sf)  }
0x1b: {  	(v2sf) =	vpush v0, $0x8;
	[tilespmem:s18], [sflag:$0x1] =	stream.linear.gather [hbm4b:s14+s3], $0x3E8, $0x38;
	[tilespmem:$0x10080] =	vst v63  }
0x1c: {  	s19 =	simm.s32 $0xA68;
	s20 =	spop (v2sf);
	(v2sf) =	vpush v0, $0x9  }
0x1d: {  	[tilespmem:s19], [sflag:$0x1] =	stream.linear.gather [hbm4b:s20+s3], $0x3E8, $0x38;
	[tilespmem:$0x10080] =	vst v63  }
0x1e: {  	s21 =	simm.s32 $0xE50;
	s22 =	spop (v2sf);
	(v2sf) =	vpush v0, $0xA  }
0x1f: {  	[tilespmem:s21], [sflag:$0x1] =	stream.linear.gather [hbm4b:s22+s3], $0x3E8, $0x38;
	[tilespmem:$0x10080] =	vst v63  }
0x20: {  	s23 =	simm.s32 $0x1238;
	s24 =	spop (v2sf);
	(v2sf) =	vpush v0, $0xB  }
0x21: {  	[tilespmem:s23], [sflag:$0x1] =	stream.linear.gather [hbm4b:s24+s3], $0x3E8, $0x38;
	[tilespmem:$0x10080] =	vst v63  }
0x22: {  	s25 =	simm.s32 $0x1620;
	s26 =	spop (v2sf);
	(v2sf) =	vpush v0, $0xC  }
0x23: {  	[tilespmem:s25], [sflag:$0x1] =	stream.linear.gather [hbm4b:s26+s3], $0x3E8, $0x38;
	[tilespmem:$0x10080] =	vst v63  }
0x24: {  	s28 =	simm.s32 $0x1A08;
	s29 =	spop (v2sf);
	(v2sf) =	vpush v0, $0xD  }
0x25: {  	[tilespmem:s28], [sflag:$0x1] =	stream.linear.gather [hbm4b:s29+s3], $0x3E8, $0x38;
	[tilespmem:$0x10080] =	vst v63  }
0x26: {  	s30 =	simm.s32 $0x1DF0;
	s31 =	spop (v2sf);
	(v2sf) =	vpush v0, $0xE  }
0x27: {  	[tilespmem:s30], [sflag:$0x1] =	stream.linear.gather [hbm4b:s31+s3], $0x3E8, $0x38;
	[tilespmem:$0x10080] =	vst v63  }
0x28: {  	s15 =	simm.s32 $0x21D8;
	s16 =	spop (v2sf);
	(v2sf) =	vpush v0, $0xF  }
0x29: {  	[tilespmem:s15], [sflag:$0x1] =	stream.linear.gather [hbm4b:s16+s3], $0x3E8, $0x38;
	[tilespmem:$0x10080] =	vst v63  }
0x2a: {  	s18 =	spop (v2sf)  }
0x2b: {  	s17 =	simm.s32 $0x25C0;
	s20 =	spop (v2sf)  }
0x2c: {  	[tilespmem:s17], [sflag:$0x1] =	stream.linear.gather [hbm4b:s18+s3], $0x3E8, $0x38;
	[tilespmem:$0x10080] =	vst v63  }
0x2d: {  	s19 =	simm.s32 $0x29A8;
	s22 =	spop (v2sf)  }
0x2e: {  	[tilespmem:s19], [sflag:$0x1] =	stream.linear.gather [hbm4b:s20+s3], $0x3E8, $0x38;
	[tilespmem:$0x10080] =	vst v63  }
0x2f: {  	s21 =	simm.s32 $0x2D90;
	s24 =	spop (v2sf)  }
0x30: {  	[tilespmem:s21], [sflag:$0x1] =	stream.linear.gather [hbm4b:s22+s3], $0x3E8, $0x38;
	[tilespmem:$0x10080] =	vst v63  }
0x31: {  	s23 =	simm.s32 $0x3178;
	s26 =	spop (v2sf)  }
0x32: {  	[tilespmem:s23], [sflag:$0x1] =	stream.linear.gather [hbm4b:s24+s3], $0x3E8, $0x38;
	[tilespmem:$0x10080] =	vst v63  }
0x33: {  	s13 =	simm.s32 $0xFA00;
	s25 =	simm.s32 $0x3560;
	s29 =	spop (v2sf)  }
0x34: {  	[tilespmem:s25], [sflag:$0x1] =	stream.linear.gather [hbm4b:s26+s3], $0x3E8, $0x38;
	[tilespmem:$0x10080] =	vst v63  }
0x35: {  	s14 =	sadd.s32 $0x10, s11;
	s28 =	simm.s32 $0x3948;
	s31 =	spop (v2sf)  }
0x36: {  	[tilespmem:s28], [sflag:$0x1] =	stream.linear.gather [hbm4b:s29+s3], $0x3E8, $0x38;
	[tilespmem:$0x10080] =	vst v63  }
0x37: {  	s30 =	simm.s32 $0x3D30;
	s15 =	simm.s32 $0x4118;
	s16 =	spop (v2sf)  }
0x38: {  	[tilespmem:s30], [sflag:$0x1] =	stream.linear.gather [hbm4b:s31+s3], $0x3E8, $0x38;
	[tilespmem:$0x10080] =	vst v63  }
.LBB2_3:
0x39: {  	[tilespmem:s15], [sflag:$0x1] =	stream.linear.gather [hbm4b:s16+s3], $0x3E8, $0x38;
	[tilespmem:$0x10080] =	vst v63  }
0x3a: {  	v0 =	vld [tilespmem:s14+$0x0];
	_ =	sdelay $0x4  }
0x3b: {  	v0 =	vmul.u32 $0x3E8, v0;
	_ =	sdelay $0x1  }
0x3c: {  	s30 =	rddreg [dreg:$0x3];
	v0 =	vshrl.u32 v0, $0x3  }
0x3d: {  	v0 =	vadd.s32 s30, v0  }
0x3e: {  	(v2sf) =	vpush v0, $0x0;
	_ =	sdelay $0x1  }
0x3f: {  	(v2sf) =	vpush v0, $0x1;
	_ =	sdelay $0x1  }
0x40: {  	(v2sf) =	vpush v0, $0x2;
	_ =	sdelay $0x1  }
0x41: {  	(v2sf) =	vpush v0, $0x3;
	_ =	sdelay $0x1  }
0x42: {  	(v2sf) =	vpush v0, $0x4;
	_ =	sdelay $0x1  }
0x43: {  	(v2sf) =	vpush v0, $0x5;
	_ =	sdelay $0x1  }
0x44: {  	(v2sf) =	vpush v0, $0x6  }
0x45: {  	s29 =	smov.u32 s13  }
0x46: {  	s15 =	sshra.s32 s29, $0x2;
	(v2sf) =	vpush v0, $0x7  }
0x47: {  	s31 =	sadd.s32 $0x680, s15;
	s17 =	spop (v2sf)  }
0x48: {  	(v2sf) =	vpush v0, $0x8;
	[tilespmem:s31], [sflag:$0x1] =	stream.linear.gather [hbm4b:s17+s3], $0x3E8, $0x38;
	[tilespmem:$0x10080] =	vst v63  }
0x49: {  	s17 =	sadd.s32 $0xA68, s15;
	s18 =	spop (v2sf)  }
0x4a: {  	(v2sf) =	vpush v0, $0x9;
	[tilespmem:s17], [sflag:$0x1] =	stream.linear.gather [hbm4b:s18+s3], $0x3E8, $0x38;
	[tilespmem:$0x10080] =	vst v63  }
0x4b: {  	s19 =	sadd.s32 $0xE50, s15;
	s20 =	spop (v2sf)  }
0x4c: {  	(v2sf) =	vpush v0, $0xA;
	[tilespmem:s19], [sflag:$0x1] =	stream.linear.gather [hbm4b:s20+s3], $0x3E8, $0x38;
	[tilespmem:$0x10080] =	vst v63  }
0x4d: {  	s21 =	sadd.s32 $0x1238, s15;
	s22 =	spop (v2sf)  }
0x4e: {  	(v2sf) =	vpush v0, $0xB;
	[tilespmem:s21], [sflag:$0x1] =	stream.linear.gather [hbm4b:s22+s3], $0x3E8, $0x38;
	[tilespmem:$0x10080] =	vst v63  }
0x4f: {  	s23 =	sadd.s32 $0x1620, s15;
	s24 =	spop (v2sf)  }
0x50: {  	(v2sf) =	vpush v0, $0xC;
	[tilespmem:s23], [sflag:$0x1] =	stream.linear.gather [hbm4b:s24+s3], $0x3E8, $0x38;
	[tilespmem:$0x10080] =	vst v63  }
0x51: {  	s25 =	sadd.s32 $0x1A08, s15;
	s26 =	spop (v2sf)  }
0x52: {  	(v2sf) =	vpush v0, $0xD;
	[tilespmem:s25], [sflag:$0x1] =	stream.linear.gather [hbm4b:s26+s3], $0x3E8, $0x38;
	[tilespmem:$0x10080] =	vst v63  }
0x53: {  	s28 =	sadd.s32 $0x1DF0, s15;
	s29 =	spop (v2sf);
	(v2sf) =	vpush v0, $0xE  }
0x54: {  	[tilespmem:s28], [sflag:$0x1] =	stream.linear.gather [hbm4b:s29+s3], $0x3E8, $0x38;
	[tilespmem:$0x10080] =	vst v63  }
0x55: {  	s30 =	sadd.s32 $0x21D8, s15;
	s31 =	spop (v2sf);
	(v2sf) =	vpush v0, $0xF  }
0x56: {  	[tilespmem:s30], [sflag:$0x1] =	stream.linear.gather [hbm4b:s31+s3], $0x3E8, $0x38;
	[tilespmem:$0x10080] =	vst v63  }
0x57: {  	s17 =	sadd.s32 $0x25C0, s15;
	s18 =	spop (v2sf)  }
0x58: {  	[tilespmem:s17], [sflag:$0x1] =	stream.linear.gather [hbm4b:s18+s3], $0x3E8, $0x38;
	[tilespmem:$0x10080] =	vst v63  }
0x59: {  	s19 =	sadd.s32 $0x29A8, s15;
	s20 =	spop (v2sf)  }
0x5a: {  	[tilespmem:s19], [sflag:$0x1] =	stream.linear.gather [hbm4b:s20+s3], $0x3E8, $0x38;
	[tilespmem:$0x10080] =	vst v63  }
0x5b: {  	s21 =	sadd.s32 $0x2D90, s15;
	s22 =	spop (v2sf)  }
0x5c: {  	[tilespmem:s21], [sflag:$0x1] =	stream.linear.gather [hbm4b:s22+s3], $0x3E8, $0x38;
	[tilespmem:$0x10080] =	vst v63  }
0x5d: {  	s23 =	sadd.s32 $0x3178, s15;
	s24 =	spop (v2sf)  }
0x5e: {  	[tilespmem:s23], [sflag:$0x1] =	stream.linear.gather [hbm4b:s24+s3], $0x3E8, $0x38;
	[tilespmem:$0x10080] =	vst v63  }
0x5f: {  	p0 =	sne.s32 s13, $0x2EE00;
	s25 =	sadd.s32 $0x3560, s15;
	s26 =	spop (v2sf)  }
0x60: {  	[tilespmem:s25], [sflag:$0x1] =	stream.linear.gather [hbm4b:s26+s3], $0x3E8, $0x38;
	[tilespmem:$0x10080] =	vst v63  }
.Ltmp0:
0x61: {  	s13 =	sadd.s32 $0xFA00, s13;
	s29 =	spop (v2sf);
	(pc) =	sbr.rel @p0 .LBB2_3-.Ltmp0, $4  }
0x62: {  	s14 =	sadd.s32 $0x10, s14;
	s28 =	sadd.s32 $0x3948, s15;
	s31 =	spop (v2sf)  }
0x63: {  	[tilespmem:s28], [sflag:$0x1] =	stream.linear.gather [hbm4b:s29+s3], $0x3E8, $0x38;
	[tilespmem:$0x10080] =	vst v63  }
0x64: {  	s30 =	sadd.s32 $0x3D30, s15;
	s15 =	sadd.s32 $0x4118, s15;
	s16 =	spop (v2sf)  }
0x65: {  	[tilespmem:s30], [sflag:$0x1] =	stream.linear.gather [hbm4b:s31+s3], $0x3E8, $0x38;
	[tilespmem:$0x10080] =	vst v63  }
0x66: {  	[tilespmem:s15], [sflag:$0x1] =	stream.linear.gather [hbm4b:s16+s3], $0x3E8, $0x38;
	[tilespmem:$0x10080] =	vst v63  }
0x67: {  	s13 =	sshll.u32 s12, $0x6  }
0x68: {  	s13 =	sadd.s32 s4, s13  }
0x69: {  	s12 =	sadd.s32 $0x1, s12;
	_ =	swait.ge [sflag:s8], $0xFA00;
	s13 =	smul.u32 $0x7D, s13  }
0x6a: {  	p0 =	sne.s32 s12, $0x19;
	[sflag:s8] =	ssyncset.done $0x0  }
.Ltmp1:
0x6b: {  	[sflag:s8] =	ssyncadd.s32 $0xFFFF0600;
	s13 =	sadd.s32 s2, s13;
	(pc) =	sbr.rel @p0 .LBB2_2-.Ltmp1, $4  }
0x6c: {  	[hbm4b:s13+s3] =	stream.linear.scatter [tilespmem:s9], [sflag:$0x2], $0xFA00, $0x38;
	[tilespmem:$0x10080] =	vst v63  }
0x6d: {  	_ =	swait.ge [sflag:s7], $0xFA00  }
0x6e: {  	[sflag:s7] =	ssyncset.done $0x0  }
0x6f: {  	s11 =	sadd.s32 $0x40, s11;
	[sflag:s7] =	ssyncadd.s32 $0xFFFF0600  }
0x70: {  	s10 =	sadd.s32 $0x1, s10  }
0x71: {  	p0 =	sne.s32 s10, s6  }
.Ltmp2:
0x72: {  	_ = 	snop;
	(pc) =	sbr.rel @p0 .LBB2_1-.Ltmp2, $1  }
0x73: {  	_ =	sdelay $0x3  }
0x74: {  	_ =	sfence.sel $0x180000  }
0x75: {  	[bflag:$0x0] =	sbarrier.arrive $0xFFFF  }
0x76: {  	p0 =	sne.s32 s0, $0x0;
	_ =	strace $0x90000047  }
0x77: {  	s0 =	sadd.s32 @!p0 $0x100000, s1;
	[bflag:$0x2] =	sbarrier.arrive $0xFFFF  }
0x78: {  	[sflag:s0] =	ssyncadd.tile.s32 @!p0 $0x1;
	_ =	shalt  }
.Lfunc_end2:
_tile_overlayer_lowered:
.L_overlay_start_2:
0x79: {  	(tag) =	ssettag $0x2  }
0x7a: {  	s0 =	rddreg [dreg:$0x0];
	s2 =	stileid.u32  }
0x7b: {  	s1 =	rddreg [dreg:$0x1];
	p0 =	sne.s32 s2, $0x0  }
0x7c: {  	s3 =	rddreg [dreg:$0x2];
	[bflag:$0x3] =	sbarrier.arrive $0xFFFF;
	s2 =	simm.s32 @!p0 $0x1C02  }
0x7d: {  	[timem:s3], [sflag:s2] =	dma.local @!p0 [hbm:s0], s1  }
0x7e: {  	s0 =	simm.s32 @!p0 $0x2  }
0x7f: {  	_ =	swait.ge @!p0 [sflag:s0], s1  }
0x80: {  	s1 =	ssub.s32 @!p0 $0x0, s1;
	[sflag:s0] =	ssyncset.done @!p0 $0x0  }
0x81: {  	[sflag:s0] =	ssyncadd.s32 @!p0 s1  }
0x82: {  	[bflag:$0x3] =	sbarrier.arrive $0xFFFF  }
0x83: {  	_ =	shalt  }

// kernel: sparse-core-data-format-call.cloned.1.call-start
scs
called_computation_lowered:
.L_overlay_start_0:
0x0: {  	s2 =	sld [smem:$0x3FD9]  }
0x1: {  	s3 =	sld [smem:$0x3FFE];
	_ =	sdelay $0x1  }
0x2: {  	s1 =	srdreg.scid  }
0x3: {  	s0 =	sand.u32 $0x1, s1  }
0x4: {  	s18 =	sshll.u32 s0, $0xA;
	s2 =	sadd.s32 s3, s2  }
0x5: {  	s2 =	sadd.s32 s2, s18  }
0x6: {  	[smem:$0x3FC6] =	sst s2  }
0x7: {  	_ = 	snop  }
0x8: {  	s2 =	sld [smem:$0x3FD0];
	(tm) =	ssettm $0x1  }
0x9: {  	s19 =	sld [smem:$0x3FFB];
	_ =	sdelay $0x3  }
0xa: {  	_ =	strace s19  }
0xb: {  	s3 =	sld [smem:$0x3FFC];
	_ =	sdelay $0x3  }
0xc: {  	_ =	strace s3  }
0xd: {  	s3 =	sld [smem:$0x3FFD];
	_ =	sdelay $0x3  }
0xe: {  	_ =	strace s3  }
0xf: {  	_ =	strace $0x8FFFFFFF  }
0x10: {  	s20 =	sld [smem:$0x3FDB];
	_ =	sdelay $0x1  }
0x11: {  	s4 =	simm.s32 $_scs_section_size  }
0x12: {  	s5 =	simm.s32 $_size__tile_overlayer_lowered;
	s6 =	simm.s32 $_tile_overlayer_lowered  }
0x13: {  	s23 =	simm.s32 $0x1BFF;
	s22 =	sshll.u32 s6, $0x1;
	s3 =	sadd.s32 s4, s20  }
0x14: {  	s7 =	simm.s32 $0x0;
	s21 =	sshll.u32 s5, $0x1;
	s5 =	sadd.s32 s22, s3  }
0x15: {  	[timem:s7], [sflag:s23] =	dma.local [hbm:s5], s21  }
0x16: {  	_ =	swait.ge [sflag:s23], s21  }
0x17: {  	s4 =	ssub.s32 $0x0, s21;
	[sflag:s23] =	ssyncset.done $0x0  }
0x18: {  	[sflag:s23] =	ssyncadd.s32 s4;
	_ =	sdelay $0x1  }
0x19: {  	s24 =	simm.s32 $0x1B8B  }
0x1a: {  	_ =	swait.ge [sflag:s24], $0x1  }
0x1b: {  	[sflag:s24] =	ssyncset.done $0x0  }
0x1c: {  	s26 =	simm.s32 $0x1B8E;
	s25 =	sld [smem:$0x3FFE];
	[sflag:s24] =	ssyncadd.s32 $0xFFFFFFFF  }
0x1d: {  	s27 =	simm.s32 $execute0_lowered;
	[smem:$0x3FD2] =	sst s26  }
0x1e: {  	s5 =	sshll.u32 s27, $0x1;
	_ =	strace $0x80000049;
	[dreg:$0x1] =	wrdreg $0xFFFFFFFF  }
0x1f: {  	s28 =	simm.s32 $_size_execute0_lowered;
	s3 =	sadd.s32 s3, s5;
	[dreg:$0x0] =	wrdreg $0x0  }
0x20: {  	s5 =	sshll.u32 s28, $0x1;
	[dreg:$0x2] =	wrdreg s3  }
0x21: {  	[dreg:$0x3] =	wrdreg s5  }
0x22: {  	[dreg:$0x4] =	wrdreg $0xC0  }
0x23: {  	_ =	task [dreg:s7], $0x5FFFF  }
0x24: {  	[dreg:$0x1] =	wrdreg $0xFFFFFFFF  }
0x25: {  	[dreg:$0x0] =	wrdreg $0x60  }
0x26: {  	[dreg:$0x2] =	wrdreg s25  }
0x27: {  	[dreg:$0x3] =	wrdreg s2  }
0x28: {  	[dreg:$0x4] =	wrdreg $0x9  }
0x29: {  	_ =	task.clear_ibuf [dreg:s7], $0x5FFFF;
	_ =	strace $0x90000049  }
0x2a: {  	s29 =	simm.s32 $0x9;
	_ =	strace $0x8000004B  }
0x2b: {  	_ =	swait.ge [sflag:s29], $0x1  }
0x2c: {  	[sflag:s29] =	ssyncadd.s32 $0xFFFFFFFF  }
0x2d: {  	_ =	strace $0x9000004B  }
0x2e: {  	_ =	sfence  }
0x2f: {  	s30 =	sld [smem:$0x0];
	_ =	sdelay $0x2  }
0x30: {  	s31 =	sshll.u32 s1, $0xD;
	s1 =	sshrl.u32 s1, $0x2  }
0x31: {  	s3 =	sand.u32 $0x4000, s31;
	s1 =	sadd.s32 s1, s30  }
0x32: {  	s0 =	sor.u32 s3, s0;
	s1 =	sshll.u32 s1, $0x11  }
0x33: {  	s0 =	sor.u32 s1, s0  }
0x34: {  	s0 =	sadd.s32 $0x8F2B, s0  }
0x35: {  	[sflag:s0] =	ssyncadd.remote.s32 $0x1  }
0x36: {  	_ =	sfence.sel $0xFFFF  }
0x37: {  	[dreg:$0x0] =	wrdreg $0xFFFFFFFF;
	(pc) =	sbr.abs _section_cstart, $3  }
0x38: {  	[dreg:$0x1] =	wrdreg $0xFFFFFFFF  }
0x39: {  	_ =	task.clear_ibuf [dreg:s7], $0x2FFFF;
	_ =	strace $0x9FFFFFFF  }
0x3a: {  	(tm) =	ssettm $0x7FFFFFFF  }
0x3b: {  	_ =	shalt  }
tec
execute0_lowered:
.L_overlay_start_1:
0x0: {  	(tag) =	ssettag $0x1  }
0x1: {  	s4 =	rddreg [dreg:$0x0]  }
0x2: {  	s0 =	stileid.u32;
	s2 =	rddreg [dreg:$0x1]  }
0x3: {  	s7 =	srdreg.scid;
	s31 =	simm.s32 $0x2;
	s17 =	simm.s32 $0x0  }
0x4: {  	s9 =	simm.s32 $0x2000;
	s19 =	simm.s32 $0x0;
	s18 =	simm.s32 $0x0  }
0x5: {  	s10 =	simm.s32 $0x0;
	s11 =	simm.s32 $0x0;
	s1 =	sshll.u32 s0, $0x7  }
0x6: {  	s12 =	simm.s32 $0x0;
	s14 =	simm.s32 $0x0;
	s3 =	sand.u32 $0x380, s1  }
0x7: {  	s16 =	simm.s32 $0x0;
	s4 =	sadd.s32 $0x800, s4;
	s5 =	ssub.s32 $0x400, s3  }
0x8: {  	s8 =	sshll.u32 s0, $0x4;
	s7 =	sshll.u32 s7, $0x8;
	s6 =	sand.u32 $0x380, s5  }
0x9: {  	s1 =	rddreg [dreg:$0x2];
	p0 =	sne.s32 s6, $0x0;
	s6 =	simm.s32 $0x1  }
.Ltmp0:
0xa: {  	s5 =	sshrl.u32 s5, $0xA;
	s6 =	simm.s32 @!p0 $0x0;
	(pc) =	sbr.rel .LBB1_1-.Ltmp0, $4  }
0xb: {  	_ =	strace $0x8000004A;
	s7 =	sor.u32 s8, s7;
	s6 =	sadd.s32 s6, s5  }
0xc: {  	s7 =	sand.u32 $0x180, s7;
	s5 =	simm.s32 $0x1;
	s6 =	smul.u32 $0x64, s6  }
0xd: {  	s15 =	smov.u32 s3;
	s13 =	smov.u32 s7;
	[sflag:s5] =	ssyncpa.u1 $0x0  }
0xe: {  	p0 =	por $0x0, $0x0;
	[sflag:s31] =	ssyncpa.u1 $0x0;
	s8 =	sor.u32 $0x1, s6  }
.LBB1_4:
0xf: {  	s25 =	sshll.u32 s10, $0xA;
	s24 =	sshra.s32 s24, $0x2;
	s26 =	sshll.u32 s12, $0x3  }
0x10: {  	p1 =	sgt.s32 s11, $0x31;
	s27 =	smov.u32 s11;
	s28 =	sshra.s32 s11, $0x1F  }
0x11: {  	p2 =	sgt.s32 s12, $0x380;
	s31 =	sshra.s32 s12, $0x1F;
	s25 =	sand.u32 $0xFFFFE000, s25  }
0x12: {  	s26 =	sand.u32 $0xFFFFFC00, s26;
	s27 =	simm.s32 @!p1 $0x31;
	s28 =	sand.u32 s28, s11  }
0x13: {  	[tilespmem:s22+$0x2040 ss:$0x81] =	vst.msk $0xffff, v4;
	s23 =	sadd.s32 s24, s23;
	s29 =	sadd.s32 s26, s25;
	s25 =	ssub.s32 s27, s28  }
0x14: {  	[tilespmem:s22+$0x2850 ss:$0x81] =	vst.msk $0xffff, v3;
	s27 =	smov.u32 s12;
	s28 =	smov.u32 s10;
	s26 =	sand.u32 s31, s12  }
0x15: {  	[tilespmem:s22+$0x3060 ss:$0x81] =	vst.msk $0xffff, v2;
	s24 =	sshrl.u32 s29, $0xA;
	s30 =	sadd.s32 $0xFFFFFFCF, s25;
	s27 =	simm.s32 @!p2 $0x380  }
0x16: {  	v5 =	vld [tilespmem:s21+$0xFFFFFFD0];
	[tilespmem:s22+$0x0 ss:$0x81] =	vst.msk $0xffff, v1;
	p2 =	sgt.s32 s10, $0x368;
	s29 =	sshra.s32 s10, $0x1F;
	s22 =	ssub.s32 $0x32, s25  }
0x17: {  	v58 =	vld [tilespmem:s21+$0xFFFFFFE0];
	p1 =	sgt.s32 s30, $0x0;
	s28 =	simm.s32 @!p2 $0x368;
	s29 =	sand.u32 s29, s10  }
0x18: {  	v59 =	vld [tilespmem:s21+$0xFFFFFFF0];
	s26 =	ssub.s32 s27, s26;
	s27 =	smulhi.u32 $0x418938, s24;
	s28 =	ssub.s32 s28, s29  }
0x19: {  	v60 =	vld [tilespmem:s21+$0x0];
	s30 =	sadd.s32 $0xFFFFFC80, s26;
	s25 =	ssub.s32 $0x400, s26;
	s22 =	simm.s32 @p1 $0x0  }
0x1a: {  	v61 =	vld [tilespmem:s21+$0x10];
	[tilespmem:s23+$0x3870 ss:$0x81] =	vst.msk $0xffff, v0;
	s29 =	sand.u32 $0x78, s12;
	p2 =	sgt.s32 s30, $0x7F;
	s31 =	sadd.s32 $0xFFFFFC98, s28  }
0x1b: {  	v62 =	vld [tilespmem:s21+$0x20];
	[tilespmem:s23+$0x810 ss:$0x81] =	vst.msk $0xffff, v5;
	s27 =	smul.u32 $0x3E8, s27;
	s30 =	sshll.u32 s10, $0x7;
	s28 =	ssub.s32 $0x3E8, s28  }
0x1c: {  	v63 =	vld [tilespmem:s21+$0xFFFFFFC0];
	[tilespmem:s23+$0x1020 ss:$0x81] =	vst.msk $0xffff, v58;
	s25 =	simm.s32 @p2 $0x0;
	p1 =	sgt.s32 s31, $0x7F;
	s31 =	smul.u32 $0x1F400, s11  }
0x1d: {  	[tilespmem:s23+$0x1830 ss:$0x81] =	vst.msk $0xffff, v59;
	s21 =	sand.u32 $0x380, s30;
	s22 =	smul.u32 s25, s22;
	s28 =	simm.s32 @p1 $0x0  }
0x1e: {  	[tilespmem:s23+$0x2040 ss:$0x81] =	vst.msk $0xffff, v60;
	s21 =	sor.u32 s29, s21;
	s24 =	ssub.s32 s24, s27;
	s29 =	sand.u32 $0x7, s12  }
0x1f: {  	[tilespmem:s23+$0x2850 ss:$0x81] =	vst.msk $0xffff, v61;
	s21 =	sshrl.u32 s21, $0x3;
	s25 =	sadd.s32 s2, s31;
	s22 =	smul.u32 s28, s22  }
0x20: {  	[tilespmem:s23+$0x3060 ss:$0x81] =	vst.msk $0xffff, v62;
	s24 =	sshll.u32 s24, $0x7;
	s30 =	sshll.u32 s29, $0x12;
	s21 =	sadd.s32 s21, s25  }
0x21: {  	[tilespmem:s23+$0x0 ss:$0x81] =	vst.msk $0xffff, v63;
	s31 =	sor.u32 $0x400, s30;
	s21 =	sadd.s32 s24, s21;
	s22 =	sand.u32 $0x3FFFFFFF, s22  }
0x22: {  	[hbm4b:s21+s31] =	stream.strided.scatter [tilespmem:s20], [sflag:$0x2], s22, s9, s31, $0x20;
	[tilespmem:$0x10100] =	vst v63  }
.LBB1_5:
0x23: {  	p1 =	slt.u32 s16, $0x2  }
0x24: {  	p2 =	sgt.s32 @!p1 s19, $0x31  }
0x25: {  	s20 =	smov.u32 s19;
	s21 =	sshra.s32 @!p1 s19, $0x1F;
	p2 =	por !p2, p1  }
0x26: {  	s19 =	sand.u32 @!p1 s21, s19;
	s20 =	simm.s32 @p2 $0x31  }
0x27: {  	p3 =	sgt.s32 @!p1 s17, $0x368;
	s19 =	ssub.s32 @!p1 s20, s19  }
0x28: {  	p4 =	sgt.s32 @!p1 s18, $0x380;
	s22 =	sshra.s32 @!p1 s18, $0x1F;
	s20 =	sadd.s32 @!p1 $0xFFFFFFCF, s19  }
0x29: {  	s21 =	smov.u32 s17;
	p2 =	sgt.s32 @!p1 s20, $0x0;
	s20 =	sshra.s32 @!p1 s17, $0x1F  }
0x2a: {  	p4 =	por !p4, p1;
	s17 =	sand.u32 @!p1 s20, s17;
	s20 =	smov.u32 s18  }
0x2b: {  	p3 =	por !p3, p1;
	s18 =	sand.u32 @!p1 s22, s18;
	s20 =	simm.s32 @p4 $0x380  }
0x2c: {  	s21 =	simm.s32 @p3 $0x368;
	s19 =	ssub.s32 @!p1 $0x32, s19;
	s18 =	ssub.s32 @!p1 s20, s18  }
0x2d: {  	p2 =	por !p2, p1;
	s17 =	ssub.s32 @!p1 s21, s17;
	s21 =	sadd.s32 @!p1 $0xFFFFFC80, s18  }
0x2e: {  	s19 =	simm.s32 @!p2 $0x0;
	p3 =	sgt.s32 @!p1 s21, $0x7F  }
0x2f: {  	s20 =	sadd.s32 @!p1 $0xFFFFFC98, s17;
	s18 =	ssub.s32 @!p1 $0x400, s18;
	p3 =	por !p3, p1  }
0x30: {  	p2 =	sgt.s32 @!p1 s20, $0x7F;
	s20 =	sadd.s32 $0x200, s13;
	s18 =	simm.s32 @!p3 $0x0  }
0x31: {  	p3 =	sgt.s32 s20, $0x3E7;
	s18 =	smul.u32 @!p1 s18, s19;
	s19 =	simm.s32 $0x1  }
0x32: {  	s17 =	ssub.s32 @!p1 $0x3E8, s17;
	p2 =	por !p2, p1;
	s19 =	simm.s32 @!p3 $0x0  }
0x33: {  	s22 =	smov.u32 s15;
	s17 =	simm.s32 @!p2 $0x0;
	s21 =	sadd.s32 s19, s14  }
0x34: {  	s17 =	smul.u32 @!p1 s17, s18;
	s18 =	sadd.s32 $0x400, s15;
	p2 =	sgt.s32 s21, $0x31  }
0x35: {  	p0 =	por !p0, !p0;
	s23 =	simm.s32 @!p1 $0x2;
	s22 =	smov.u32 @p2 s18  }
0x36: {  	s20 =	smov.u32 @p3 s7;
	s21 =	simm.s32 @p2 $0x0;
	p2 =	sgt.s32 s22, $0x3FF  }
0x37: {  	s19 =	smov.u32 s11;
	s22 =	smov.u32 @p2 s3;
	p2 =	sne.s32 s16, s8  }
.Ltmp1:
0x38: {  	s11 =	smov.u32 s14;
	s17 =	sand.u32 @!p1 $0x3FFFFFFF, s17;
	(pc) =	sbr.rel @!p2 .LBB1_6-.Ltmp1, $4  }
0x39: {  	s18 =	smov.u32 s12;
	s12 =	smov.u32 s15;
	_ =	swait.ge @!p1 [sflag:s23], s17  }
0x3a: {  	s24 =	ssub.s32 @!p1 $0x0, s17;
	s17 =	smov.u32 s10;
	s10 =	smov.u32 s13  }
0x3b: {  	s13 =	smov.u32 s20;
	s14 =	smov.u32 s21;
	[sflag:s23] =	ssyncset.done @!p1 $0x0  }
0x3c: {  	s16 =	sadd.s32 $0x1, s16;
	[sflag:s23] =	ssyncadd.s32 @!p1 s24;
	s15 =	smov.u32 s22  }
.LBB1_1:
0x3d: {  	p1 =	sge.u32 s16, s6  }
0x3e: {  	s20 =	sshll.u32 @!p1 s14, $0xA  }
0x3f: {  	s21 =	sshll.u32 @!p1 s13, $0x3;
	s20 =	sand.u32 @!p1 $0xFFFFE000, s20  }
0x40: {  	s20 =	sadd.s32 @!p1 s20, s21  }
0x41: {  	s20 =	sshrl.u32 @!p1 s20, $0xA  }
0x42: {  	s21 =	smulhi.u32 @!p1 $0x4924925, s20  }
0x43: {  	s22 =	sshll.u32 @!p1 s14, $0x7;
	s24 =	smul.u32 @!p1 $0x1C00, s15  }
0x44: {  	s23 =	sand.u32 @!p1 $0x78, s13;
	s22 =	sand.u32 @!p1 $0x380, s22;
	s21 =	smul.u32 @!p1 $0x38, s21  }
0x45: {  	s31 =	sadd.s32 $0xFFFFFFFF, s16;
	s22 =	sor.u32 @!p1 s23, s22;
	s23 =	sadd.s32 @!p1 s4, s24  }
0x46: {  	s22 =	sshrl.u32 @!p1 s22, $0x3;
	s20 =	ssub.s32 @!p1 s20, s21;
	s21 =	sxor.u32 @!p1 $0xFFFFFFFF, s16  }
0x47: {  	s22 =	sadd.s32 @!p1 s22, s23;
	s23 =	sand.u32 @!p1 $0x7, s13;
	s21 =	sshll.u32 @!p1 s21, $0xE  }
0x48: {  	s23 =	sshll.u32 @!p1 s23, $0x12;
	s20 =	sshll.u32 @!p1 s20, $0x7;
	s21 =	sand.u32 @!p1 $0x4000, s21  }
0x49: {  	s20 =	sadd.s32 @!p1 s20, s22;
	s22 =	sor.u32 @!p1 $0x80, s23;
	s23 =	simm.s32 @!p1 $0xE000  }
0x4a: {  	[tilespmem:s21], [sflag:$0x1] =	stream.strided.gather @!p1 [hbm4b:s20+s22], $0x4000, s23, s22, $0x38;
	[tilespmem:$0x10100] =	vst v63  }
0x4b: {  	p1 =	sge.u32 s31, s6  }
.Ltmp2:
0x4c: {  	_ = 	snop;
	(pc) =	sbr.rel @p1 .LBB1_5-.Ltmp2, $1  }
0x4d: {  	_ =	sdelay $0x3  }
0x4e: {  	s20 =	simm.s32 $0x1  }
0x4f: {  	_ =	swait.ge [sflag:s5], $0x4000;
	s20 =	simm.s32 @!p0 $0x0  }
0x50: {  	[sflag:s5] =	ssyncset.done $0x0;
	s21 =	sshll.u32 s20, $0xE  }
0x51: {  	[sflag:s5] =	ssyncadd.s32 $0xFFFFC000;
	s21 =	sor.u32 $0x40, s21  }
0x52: {  	s20 =	smul.u32 $0x10200, s20;
	v0 =	vld [tilespmem:s21+$0x30]  }
0x53: {  	v1 =	vld [tilespmem:s21+$0xFFFFFFD0]  }
0x54: {  	s20 =	sshrl.u32 s20, $0x2;
	v5 =	vld [tilespmem:s21+$0xFFFFFFE0]  }
0x55: {  	v6 =	vld [tilespmem:s21+$0xFFFFFFF0];
	s23 =	sor.u32 $0x8000, s20  }
0x56: {  	s31 =	sand.u32 $0x1, s16;
	v4 =	vld [tilespmem:s21+$0x0];
	s22 =	sadd.s32 $0x0, s23  }
0x57: {  	v3 =	vld [tilespmem:s21+$0x10];
	s20 =	smul.u32 $0x10200, s31;
	[tilespmem:s22+$0x3870 ss:$0x81] =	vst.msk $0xffff, v0  }
0x58: {  	v2 =	vld [tilespmem:s21+$0x20];
	[tilespmem:s22+$0x810 ss:$0x81] =	vst.msk $0xffff, v1  }
0x59: {  	s20 =	sshrl.u32 s20, $0x2;
	v1 =	vld [tilespmem:s21+$0xFFFFFFC0];
	[tilespmem:s22+$0x1020 ss:$0x81] =	vst.msk $0xffff, v5;
	s21 =	sadd.s32 $0x80, s21  }
0x5a: {  	s24 =	simm.s32 $0x4;
	s25 =	simm.s32 $0x8;
	s20 =	sor.u32 $0x8000, s20;
	[tilespmem:s22+$0x1830 ss:$0x81] =	vst.msk $0xffff, v6;
	v0 =	vld [tilespmem:s21+$0x30]  }
.LBB1_3:
0x5b: {  	p1 =	sne.s32 s25, $0x1FC;
	v5 =	vld [tilespmem:s21+$0xFFFFFFD0];
	[tilespmem:s22+$0x2040 ss:$0x81] =	vst.msk $0xffff, v4  }
0x5c: {  	v6 =	vld [tilespmem:s21+$0xFFFFFFE0];
	[tilespmem:s22+$0x2850 ss:$0x81] =	vst.msk $0xffff, v3  }
0x5d: {  	s26 =	sshra.s32 s24, $0x2;
	s24 =	smov.u32 s25;
	v7 =	vld [tilespmem:s21+$0xFFFFFFF0];
	[tilespmem:s22+$0x3060 ss:$0x81] =	vst.msk $0xffff, v2  }
.Ltmp3:
0x5e: {  	v4 =	vld [tilespmem:s21+$0x0];
	[tilespmem:s22+$0x0 ss:$0x81] =	vst.msk $0xffff, v1;
	s22 =	sadd.s32 s26, s23;
	(pc) =	sbr.rel @p1 .LBB1_3-.Ltmp3, $4  }
0x5f: {  	v3 =	vld [tilespmem:s21+$0x10];
	[tilespmem:s22+$0x3870 ss:$0x81] =	vst.msk $0xffff, v0  }
0x60: {  	[tilespmem:s22+$0x810 ss:$0x81] =	vst.msk $0xffff, v5;
	v2 =	vld [tilespmem:s21+$0x20]  }
0x61: {  	v1 =	vld [tilespmem:s21+$0xFFFFFFC0];
	[tilespmem:s22+$0x1020 ss:$0x81] =	vst.msk $0xffff, v6;
	s21 =	sadd.s32 $0x80, s21  }
0x62: {  	s25 =	sadd.s32 $0x4, s25;
	v0 =	vld [tilespmem:s21+$0x30];
	[tilespmem:s22+$0x1830 ss:$0x81] =	vst.msk $0xffff, v7  }
.Ltmp4:
0x63: {  	_ = 	snop;
	(pc) =	sbr.rel .LBB1_4-.Ltmp4, $1  }
0x64: {  	_ =	sdelay $0x3  }
.LBB1_6:
0x65: {  	_ =	sfence.sel $0x180000  }
0x66: {  	s2 =	simm.s32 $0x1;
	[bflag:$0x0] =	sbarrier.arrive $0xFFFF  }
0x67: {  	s31 =	simm.s32 $0x2;
	[sflag:s2] =	ssyncpa.u1 $0x1  }
0x68: {  	[sflag:s31] =	ssyncpa.u1 $0x1  }
0x69: {  	p0 =	sne.s32 s0, $0x0;
	_ =	strace $0x9000004A  }
0x6a: {  	s0 =	sadd.s32 @!p0 $0x100000, s1;
	[bflag:$0x2] =	sbarrier.arrive $0xFFFF  }
0x6b: {  	[sflag:s0] =	ssyncadd.tile.s32 @!p0 $0x1;
	_ =	shalt  }
.Lfunc_end1:
_tile_overlayer_lowered:
.L_overlay_start_2:
0x6c: {  	(tag) =	ssettag $0x2  }
0x6d: {  	s0 =	rddreg [dreg:$0x0];
	s2 =	stileid.u32  }
0x6e: {  	s1 =	rddreg [dreg:$0x1];
	p0 =	sne.s32 s2, $0x0  }
0x6f: {  	s3 =	rddreg [dreg:$0x2];
	[bflag:$0x3] =	sbarrier.arrive $0xFFFF;
	s2 =	simm.s32 @!p0 $0x1C01  }
0x70: {  	[timem:s3], [sflag:s2] =	dma.local @!p0 [hbm:s0], s1  }
0x71: {  	s0 =	simm.s32 @!p0 $0x1  }
0x72: {  	_ =	swait.ge @!p0 [sflag:s0], s1  }
0x73: {  	s1 =	ssub.s32 @!p0 $0x0, s1;
	[sflag:s0] =	ssyncset.done @!p0 $0x0  }
0x74: {  	[sflag:s0] =	ssyncadd.s32 @!p0 s1  }
0x75: {  	[bflag:$0x3] =	sbarrier.arrive $0xFFFF  }
0x76: {  	_ =	shalt  }

</sc_bundles>
